<compile_context>
chip_gen: v7x
topology: tpu7x:2x2x1
jax: 0.10.2.dev20260603
libtpu: 0.0.44.dev20260713+nightly
codegen_flags: <defaults>
</compile_context>

<pallas_src>
import functools

import jax
import jax.numpy as jnp
from jax import lax
from jax.experimental import pallas as pl
from jax.experimental.pallas import tpu as pltpu
from jax.experimental.pallas import tpu_sc as plsc

_N = 100000
_K = 8
_B = 4096
_L = 16
_NC = 2
_NS = 16
_NW = _NC * _NS
_BPW = _B // _NW
_C2 = _K * _K

_MESH = plsc.VectorSubcoreMesh(core_axis_name="c", subcore_axis_name="s")
_PARAMS = pltpu.CompilerParams(use_tc_tiling_on_sc=True)


@functools.partial(
    pl.kernel,
    mesh=_MESH,
    compiler_params=_PARAMS,
    out_type=[
        jax.ShapeDtypeStruct((_K, _B), jnp.int32),
        jax.ShapeDtypeStruct((_C2, _B), jnp.int32),
        jax.ShapeDtypeStruct((_K, _B), jnp.int32),
        jax.ShapeDtypeStruct((_C2, _B), jnp.int32),
    ],
    scratch_types=[
        pltpu.VMEM((_BPW,), jnp.int32),
        pltpu.VMEM((_K, _BPW), jnp.int32),
        pltpu.VMEM((_K, _BPW), jnp.int32),
        pltpu.VMEM((_K, _BPW), jnp.int32),
        pltpu.VMEM((_C2, _BPW), jnp.int32),
        pltpu.VMEM((_C2, _BPW), jnp.int32),
        pltpu.VMEM((_C2, _BPW), jnp.int32),
        pltpu.SemaphoreType.DMA,
        pltpu.SemaphoreType.DMA,
        pltpu.SemaphoreType.DMA,
    ],
)
def _encode(ent_hbm, adj_ef_hbm, adj_rf_hbm,
            ent1_hbm, ent2_hbm, rel1_hbm, rel2_hbm,
            idx_v, eo1_v, e1_v, r1_v, eo2_v, e2_v, r2_v,
            sem_a, sem_b, sem_w):
    wid = lax.axis_index("s") * _NC + lax.axis_index("c")
    base = pl.multiple_of(wid * _BPW, 8)

    pltpu.sync_copy(ent_hbm.at[pl.ds(base, _BPW)], idx_v)

    for t in range(_BPW // _L):
        e16 = idx_v[pl.ds(t * _L, _L)]
        for j in range(_K):
            eo1_v[j, pl.ds(t * _L, _L)] = e16 + (_N * j)

    h1 = []
    for j in range(_K):
        h1.append(pltpu.async_copy(
            adj_ef_hbm.at[eo1_v.at[j]], e1_v.at[j], sem_a))
        h1.append(pltpu.async_copy(
            adj_rf_hbm.at[eo1_v.at[j]], r1_v.at[j], sem_b))
    for cp in h1:
        cp.wait()

    w_e1 = pltpu.async_copy(e1_v, ent1_hbm.at[:, pl.ds(base, _BPW)], sem_w)
    w_r1 = pltpu.async_copy(r1_v, rel1_hbm.at[:, pl.ds(base, _BPW)], sem_w)

    def expand2(jt, carry):
        j = jt // (_BPW // _L)
        t = jt % (_BPW // _L)
        e16 = e1_v[j, pl.ds(pl.multiple_of(t * _L, _L), _L)]
        for k in range(_K):
            eo2_v[j * _K + k, pl.ds(pl.multiple_of(t * _L, _L), _L)] = (
                e16 + (_N * k))
        return carry
    lax.fori_loop(0, _K * (_BPW // _L), expand2, 0)

    def fire(c, carry):
        ic = eo2_v.at[c]
        pltpu.async_copy(adj_ef_hbm.at[ic], e2_v.at[c], sem_a)
        pltpu.async_copy(adj_rf_hbm.at[ic], r2_v.at[c], sem_b)
        return carry
    lax.fori_loop(0, _C2, fire, 0)

    pltpu.make_async_copy(ent2_hbm.at[:, pl.ds(0, _BPW)], e2_v, sem_a).wait()
    pltpu.make_async_copy(rel2_hbm.at[:, pl.ds(0, _BPW)], r2_v, sem_b).wait()

    w_e2 = pltpu.async_copy(e2_v, ent2_hbm.at[:, pl.ds(base, _BPW)], sem_w)
    w_r2 = pltpu.async_copy(r2_v, rel2_hbm.at[:, pl.ds(base, _BPW)], sem_w)

    w_e1.wait()
    w_r1.wait()
    w_e2.wait()
    w_r2.wait()


def kernel(entity, adj_entity, adj_relation):
    ent1, ent2, rel1, rel2 = _encode(
        entity.reshape(-1), adj_entity.T.reshape(-1), adj_relation.T.reshape(-1))
    return (
        entity,
        ent1.T,
        ent2.T,
        rel1.T,
        rel2.T,
    )

# --- scband reference (transcript-rebuilt; emitter-appended) ---
"""Pipeline reference for scband-rece-field-encoder-5849745457251 (READ-ONLY COPY).

The authoritative reference and input builder live on the scoring server;
editing this copy changes nothing except your own understanding.
"""

import jax, jax.numpy as jnp
import numpy as np

N_ENTITIES = 100000
N_RELATIONS = 1000
NEIGHBOR_SAMPLE_SIZE = 8
N_DEPTH = 2
BATCH = 4096


def setup_inputs(seed: int = 0) -> dict:
    key = jax.random.key(seed)
    k1, k2, k3 = jax.random.split(key, 3)
    entity = jax.random.randint(k1, (BATCH, 1), 0, N_ENTITIES, dtype=jnp.int64 if jax.config.jax_enable_x64 else jnp.int32).astype(jnp.int32)
    adj_entity = jax.random.randint(k2, (N_ENTITIES, NEIGHBOR_SAMPLE_SIZE), 0, N_ENTITIES, dtype=jnp.int32)
    adj_relation = jax.random.randint(k3, (N_ENTITIES, NEIGHBOR_SAMPLE_SIZE), 0, N_RELATIONS, dtype=jnp.int32)
    return {"entity": entity, "adj_entity": adj_entity, "adj_relation": adj_relation}


def reference(entity, adj_entity, adj_relation):
    # Faithful translation of ReceFieldEncoder.call
    n_neighbor = adj_entity.shape[1]
    neigh_ent_list = [entity]
    neigh_rel_list = []
    for i in range(N_DEPTH):
        idx = neigh_ent_list[-1]
        new_neigh_ent = jnp.take(adj_entity, idx, axis=0)   # gather rows
        new_neigh_rel = jnp.take(adj_relation, idx, axis=0)
        neigh_ent_list.append(new_neigh_ent.reshape(-1, n_neighbor ** (i + 1)))
        neigh_rel_list.append(new_neigh_rel.reshape(-1, n_neighbor ** (i + 1)))
    return tuple(neigh_ent_list + neigh_rel_list)

if __name__ == "__main__":
    import jax
    _d = setup_inputs()
    print(jax.jit(kernel)(*tuple(_d.values())))

</pallas_src>

<mosaic_0001>
#map = affine_map<(d0, d1) -> (0)>
#map1 = affine_map<(d0, d1) -> (0, 0)>
module attributes {stable_mosaic.version = 14 : i64} {
  func.func @_encode(%arg0: i32, %arg1: i32, %arg2: memref<4096xi32, #tpu.memory_space<hbm>>, %arg3: memref<800000xi32, #tpu.memory_space<hbm>>, %arg4: memref<800000xi32, #tpu.memory_space<hbm>>, %arg5: memref<8x4096xi32, #tpu.memory_space<hbm>>, %arg6: memref<64x4096xi32, #tpu.memory_space<hbm>>, %arg7: memref<8x4096xi32, #tpu.memory_space<hbm>>, %arg8: memref<64x4096xi32, #tpu.memory_space<hbm>>, %arg9: memref<128xi32, #tpu.memory_space<vmem>>, %arg10: memref<8x128xi32, #tpu.memory_space<vmem>>, %arg11: memref<8x128xi32, #tpu.memory_space<vmem>>, %arg12: memref<8x128xi32, #tpu.memory_space<vmem>>, %arg13: memref<64x128xi32, #tpu.memory_space<vmem>>, %arg14: memref<64x128xi32, #tpu.memory_space<vmem>>, %arg15: memref<64x128xi32, #tpu.memory_space<vmem>>, %arg16: memref<!tpu.dma_semaphore, #tpu.memory_space<semaphore_mem>>, %arg17: memref<!tpu.dma_semaphore, #tpu.memory_space<semaphore_mem>>, %arg18: memref<!tpu.dma_semaphore, #tpu.memory_space<semaphore_mem>>) attributes {dimension_semantics = [#tpu.dimension_semantics<core_parallel>, #tpu.dimension_semantics<subcore_parallel>], iteration_bounds = array<i64: 2, 16>, scalar_prefetch = 0 : i64, scratch_operands = 10 : i64, tpu.core_type = #tpu.core_type<sc_vector_subcore>, window_params = [{transform_indices = #map}, {transform_indices = #map}, {transform_indices = #map}, {transform_indices = #map1}, {transform_indices = #map1}, {transform_indices = #map1}, {transform_indices = #map1}]} {
    %mul3A = arith.constant 2 : i32
    %mul3A_0 = arith.muli %arg1, %mul3A : i32
    %add3A = arith.addi %mul3A_0, %arg0 : i32
    %mul3A_1 = arith.constant 128 : i32
    %mul3A_2 = arith.muli %add3A, %mul3A_1 : i32
    %multiple_of3A = tpu.assume_multiple %mul3A_2, 8 : i32
    "tpu.region"() ({
      %run_scoped3A = tpu.sem_alloc : memref<!tpu.dma_semaphore, #tpu.memory_space<semaphore_mem>>
      %dma_start3A_974 = tpu.memref_slice %arg2[%multiple_of3A] : memref<4096xi32, #tpu.memory_space<hbm>> -> memref<128xi32, #tpu.memory_space<hbm>>
      %dma_start3A_975 = tpu.memref_slice %arg2[%multiple_of3A] : memref<4096xi32, #tpu.memory_space<hbm>> -> memref<128xi32, #tpu.memory_space<hbm>>
      tpu.enqueue_dma source(%dma_start3A_975 : memref<128xi32, #tpu.memory_space<hbm>>) target(%arg9 : memref<128xi32, #tpu.memory_space<vmem>>) target_semaphore(%run_scoped3A : memref<!tpu.dma_semaphore, #tpu.memory_space<semaphore_mem>>)
      %dma_wait3A_976 = tpu.memref_slice %arg2[%multiple_of3A] : memref<4096xi32, #tpu.memory_space<hbm>> -> memref<128xi32, #tpu.memory_space<hbm>>
      %dma_wait3A_977 = tpu.memref_slice %arg2[%multiple_of3A] : memref<4096xi32, #tpu.memory_space<hbm>> -> memref<128xi32, #tpu.memory_space<hbm>>
      tpu.wait_dma2 semaphore(%run_scoped3A : memref<!tpu.dma_semaphore, #tpu.memory_space<semaphore_mem>>) src(%dma_wait3A_977 : memref<128xi32, #tpu.memory_space<hbm>>) dst(%arg9 : memref<128xi32, #tpu.memory_space<vmem>>)
      tpu.yield
    }) : () -> ()
    %get3A = arith.constant 0 : index
    %get3A_3 = tpu.vector_load %arg9[%get3A] {strides = array<i32>} : memref<128xi32, #tpu.memory_space<vmem>>, vector<16xi32>,
    %get3A_4 = vector.shape_cast %get3A_3 : vector<16xi32> to vector<16xi32>
    %add3A_5 = arith.constant 0 : i32
    %add3A_6 = vector.broadcast %add3A_5 : i32 to vector<16xi32>
    %add3A_7 = arith.addi %get3A_4, %add3A_6 : vector<16xi32>
    %swap3A = arith.constant 0 : i32
    %swap3A_8 = arith.index_cast %swap3A : i32 to index
    %swap3A_9 = arith.constant 0 : index
    %swap3A_10 = tpu.vector_load %arg10[%swap3A_8, %swap3A_9] {strides = array<i32>} : memref<8x128xi32, #tpu.memory_space<vmem>>, vector<1x16xi32>,
    %swap3A_11 = vector.shape_cast %swap3A_10 : vector<1x16xi32> to vector<16xi32>
    %swap3A_12 = vector.shape_cast %add3A_7 : vector<16xi32> to vector<1x16xi32>
    tpu.vector_store %arg10[%swap3A_8, %swap3A_9], %swap3A_12 {strides = array<i32>} : memref<8x128xi32, #tpu.memory_space<vmem>>, vector<1x16xi32>,
    %add3A_13 = arith.constant 100000 : i32
    %add3A_14 = vector.broadcast %add3A_13 : i32 to vector<16xi32>
    %add3A_15 = arith.addi %get3A_4, %add3A_14 : vector<16xi32>
    %swap3A_16 = arith.constant 1 : i32
    %swap3A_17 = arith.index_cast %swap3A_16 : i32 to index
    %swap3A_18 = arith.constant 0 : index
    %swap3A_19 = tpu.vector_load %arg10[%swap3A_17, %swap3A_18] {strides = array<i32>} : memref<8x128xi32, #tpu.memory_space<vmem>>, vector<1x16xi32>,
    %swap3A_20 = vector.shape_cast %swap3A_19 : vector<1x16xi32> to vector<16xi32>
    %swap3A_21 = vector.shape_cast %add3A_15 : vector<16xi32> to vector<1x16xi32>
    tpu.vector_store %arg10[%swap3A_17, %swap3A_18], %swap3A_21 {strides = array<i32>} : memref<8x128xi32, #tpu.memory_space<vmem>>, vector<1x16xi32>,
    %add3A_22 = arith.constant 200000 : i32
    %add3A_23 = vector.broadcast %add3A_22 : i32 to vector<16xi32>
    %add3A_24 = arith.addi %get3A_4, %add3A_23 : vector<16xi32>
    %swap3A_25 = arith.constant 2 : i32
    %swap3A_26 = arith.index_cast %swap3A_25 : i32 to index
    %swap3A_27 = arith.constant 0 : index
    %swap3A_28 = tpu.vector_load %arg10[%swap3A_26, %swap3A_27] {strides = array<i32>} : memref<8x128xi32, #tpu.memory_space<vmem>>, vector<1x16xi32>,
    %swap3A_29 = vector.shape_cast %swap3A_28 : vector<1x16xi32> to vector<16xi32>
    %swap3A_30 = vector.shape_cast %add3A_24 : vector<16xi32> to vector<1x16xi32>
    tpu.vector_store %arg10[%swap3A_26, %swap3A_27], %swap3A_30 {strides = array<i32>} : memref<8x128xi32, #tpu.memory_space<vmem>>, vector<1x16xi32>,
    %add3A_31 = arith.constant 300000 : i32
    %add3A_32 = vector.broadcast %add3A_31 : i32 to vector<16xi32>
    %add3A_33 = arith.addi %get3A_4, %add3A_32 : vector<16xi32>
    %swap3A_34 = arith.constant 3 : i32
    %swap3A_35 = arith.index_cast %swap3A_34 : i32 to index
    %swap3A_36 = arith.constant 0 : index
    %swap3A_37 = tpu.vector_load %arg10[%swap3A_35, %swap3A_36] {strides = array<i32>} : memref<8x128xi32, #tpu.memory_space<vmem>>, vector<1x16xi32>,
    %swap3A_38 = vector.shape_cast %swap3A_37 : vector<1x16xi32> to vector<16xi32>
    %swap3A_39 = vector.shape_cast %add3A_33 : vector<16xi32> to vector<1x16xi32>
    tpu.vector_store %arg10[%swap3A_35, %swap3A_36], %swap3A_39 {strides = array<i32>} : memref<8x128xi32, #tpu.memory_space<vmem>>, vector<1x16xi32>,
    %add3A_40 = arith.constant 400000 : i32
    %add3A_41 = vector.broadcast %add3A_40 : i32 to vector<16xi32>
    %add3A_42 = arith.addi %get3A_4, %add3A_41 : vector<16xi32>
    %swap3A_43 = arith.constant 4 : i32
    %swap3A_44 = arith.index_cast %swap3A_43 : i32 to index
    %swap3A_45 = arith.constant 0 : index
    %swap3A_46 = tpu.vector_load %arg10[%swap3A_44, %swap3A_45] {strides = array<i32>} : memref<8x128xi32, #tpu.memory_space<vmem>>, vector<1x16xi32>,
    %swap3A_47 = vector.shape_cast %swap3A_46 : vector<1x16xi32> to vector<16xi32>
    %swap3A_48 = vector.shape_cast %add3A_42 : vector<16xi32> to vector<1x16xi32>
    tpu.vector_store %arg10[%swap3A_44, %swap3A_45], %swap3A_48 {strides = array<i32>} : memref<8x128xi32, #tpu.memory_space<vmem>>, vector<1x16xi32>,
    %add3A_49 = arith.constant 500000 : i32
    %add3A_50 = vector.broadcast %add3A_49 : i32 to vector<16xi32>
    %add3A_51 = arith.addi %get3A_4, %add3A_50 : vector<16xi32>
    %swap3A_52 = arith.constant 5 : i32
    %swap3A_53 = arith.index_cast %swap3A_52 : i32 to index
    %swap3A_54 = arith.constant 0 : index
    %swap3A_55 = tpu.vector_load %arg10[%swap3A_53, %swap3A_54] {strides = array<i32>} : memref<8x128xi32, #tpu.memory_space<vmem>>, vector<1x16xi32>,
    %swap3A_56 = vector.shape_cast %swap3A_55 : vector<1x16xi32> to vector<16xi32>
    %swap3A_57 = vector.shape_cast %add3A_51 : vector<16xi32> to vector<1x16xi32>
    tpu.vector_store %arg10[%swap3A_53, %swap3A_54], %swap3A_57 {strides = array<i32>} : memref<8x128xi32, #tpu.memory_space<vmem>>, vector<1x16xi32>,
    %add3A_58 = arith.constant 600000 : i32
    %add3A_59 = vector.broadcast %add3A_58 : i32 to vector<16xi32>
    %add3A_60 = arith.addi %get3A_4, %add3A_59 : vector<16xi32>
    %swap3A_61 = arith.constant 6 : i32
    %swap3A_62 = arith.index_cast %swap3A_61 : i32 to index
    %swap3A_63 = arith.constant 0 : index
    %swap3A_64 = tpu.vector_load %arg10[%swap3A_62, %swap3A_63] {strides = array<i32>} : memref<8x128xi32, #tpu.memory_space<vmem>>, vector<1x16xi32>,
    %swap3A_65 = vector.shape_cast %swap3A_64 : vector<1x16xi32> to vector<16xi32>
    %swap3A_66 = vector.shape_cast %add3A_60 : vector<16xi32> to vector<1x16xi32>
    tpu.vector_store %arg10[%swap3A_62, %swap3A_63], %swap3A_66 {strides = array<i32>} : memref<8x128xi32, #tpu.memory_space<vmem>>, vector<1x16xi32>,
    %add3A_67 = arith.constant 700000 : i32
    %add3A_68 = vector.broadcast %add3A_67 : i32 to vector<16xi32>
    %add3A_69 = arith.addi %get3A_4, %add3A_68 : vector<16xi32>
    %swap3A_70 = arith.constant 7 : i32
    %swap3A_71 = arith.index_cast %swap3A_70 : i32 to index
    %swap3A_72 = arith.constant 0 : index
    %swap3A_73 = tpu.vector_load %arg10[%swap3A_71, %swap3A_72] {strides = array<i32>} : memref<8x128xi32, #tpu.memory_space<vmem>>, vector<1x16xi32>,
    %swap3A_74 = vector.shape_cast %swap3A_73 : vector<1x16xi32> to vector<16xi32>
    %swap3A_75 = vector.shape_cast %add3A_69 : vector<16xi32> to vector<1x16xi32>
    tpu.vector_store %arg10[%swap3A_71, %swap3A_72], %swap3A_75 {strides = array<i32>} : memref<8x128xi32, #tpu.memory_space<vmem>>, vector<1x16xi32>,
    %get3A_76 = arith.constant 16 : index
    %get3A_77 = tpu.vector_load %arg9[%get3A_76] {strides = array<i32>} : memref<128xi32, #tpu.memory_space<vmem>>, vector<16xi32>,
    %get3A_78 = vector.shape_cast %get3A_77 : vector<16xi32> to vector<16xi32>
    %add3A_79 = arith.constant 0 : i32
    %add3A_80 = vector.broadcast %add3A_79 : i32 to vector<16xi32>
    %add3A_81 = arith.addi %get3A_78, %add3A_80 : vector<16xi32>
    %swap3A_82 = arith.constant 0 : i32
    %swap3A_83 = arith.index_cast %swap3A_82 : i32 to index
    %swap3A_84 = arith.constant 16 : index
    %swap3A_85 = tpu.vector_load %arg10[%swap3A_83, %swap3A_84] {strides = array<i32>} : memref<8x128xi32, #tpu.memory_space<vmem>>, vector<1x16xi32>,
    %swap3A_86 = vector.shape_cast %swap3A_85 : vector<1x16xi32> to vector<16xi32>
    %swap3A_87 = vector.shape_cast %add3A_81 : vector<16xi32> to vector<1x16xi32>
    tpu.vector_store %arg10[%swap3A_83, %swap3A_84], %swap3A_87 {strides = array<i32>} : memref<8x128xi32, #tpu.memory_space<vmem>>, vector<1x16xi32>,
    %add3A_88 = arith.constant 100000 : i32
    %add3A_89 = vector.broadcast %add3A_88 : i32 to vector<16xi32>
    %add3A_90 = arith.addi %get3A_78, %add3A_89 : vector<16xi32>
    %swap3A_91 = arith.constant 1 : i32
    %swap3A_92 = arith.index_cast %swap3A_91 : i32 to index
    %swap3A_93 = arith.constant 16 : index
    %swap3A_94 = tpu.vector_load %arg10[%swap3A_92, %swap3A_93] {strides = array<i32>} : memref<8x128xi32, #tpu.memory_space<vmem>>, vector<1x16xi32>,
    %swap3A_95 = vector.shape_cast %swap3A_94 : vector<1x16xi32> to vector<16xi32>
    %swap3A_96 = vector.shape_cast %add3A_90 : vector<16xi32> to vector<1x16xi32>
    tpu.vector_store %arg10[%swap3A_92, %swap3A_93], %swap3A_96 {strides = array<i32>} : memref<8x128xi32, #tpu.memory_space<vmem>>, vector<1x16xi32>,
    %add3A_97 = arith.constant 200000 : i32
    %add3A_98 = vector.broadcast %add3A_97 : i32 to vector<16xi32>
    %add3A_99 = arith.addi %get3A_78, %add3A_98 : vector<16xi32>
    %swap3A_100 = arith.constant 2 : i32
    %swap3A_101 = arith.index_cast %swap3A_100 : i32 to index
    %swap3A_102 = arith.constant 16 : index
    %swap3A_103 = tpu.vector_load %arg10[%swap3A_101, %swap3A_102] {strides = array<i32>} : memref<8x128xi32, #tpu.memory_space<vmem>>, vector<1x16xi32>,
    %swap3A_104 = vector.shape_cast %swap3A_103 : vector<1x16xi32> to vector<16xi32>
    %swap3A_105 = vector.shape_cast %add3A_99 : vector<16xi32> to vector<1x16xi32>
    tpu.vector_store %arg10[%swap3A_101, %swap3A_102], %swap3A_105 {strides = array<i32>} : memref<8x128xi32, #tpu.memory_space<vmem>>, vector<1x16xi32>,
    %add3A_106 = arith.constant 300000 : i32
    %add3A_107 = vector.broadcast %add3A_106 : i32 to vector<16xi32>
    %add3A_108 = arith.addi %get3A_78, %add3A_107 : vector<16xi32>
    %swap3A_109 = arith.constant 3 : i32
    %swap3A_110 = arith.index_cast %swap3A_109 : i32 to index
    %swap3A_111 = arith.constant 16 : index
    %swap3A_112 = tpu.vector_load %arg10[%swap3A_110, %swap3A_111] {strides = array<i32>} : memref<8x128xi32, #tpu.memory_space<vmem>>, vector<1x16xi32>,
    %swap3A_113 = vector.shape_cast %swap3A_112 : vector<1x16xi32> to vector<16xi32>
    %swap3A_114 = vector.shape_cast %add3A_108 : vector<16xi32> to vector<1x16xi32>
    tpu.vector_store %arg10[%swap3A_110, %swap3A_111], %swap3A_114 {strides = array<i32>} : memref<8x128xi32, #tpu.memory_space<vmem>>, vector<1x16xi32>,
    %add3A_115 = arith.constant 400000 : i32
    %add3A_116 = vector.broadcast %add3A_115 : i32 to vector<16xi32>
    %add3A_117 = arith.addi %get3A_78, %add3A_116 : vector<16xi32>
    %swap3A_118 = arith.constant 4 : i32
    %swap3A_119 = arith.index_cast %swap3A_118 : i32 to index
    %swap3A_120 = arith.constant 16 : index
    %swap3A_121 = tpu.vector_load %arg10[%swap3A_119, %swap3A_120] {strides = array<i32>} : memref<8x128xi32, #tpu.memory_space<vmem>>, vector<1x16xi32>,
    %swap3A_122 = vector.shape_cast %swap3A_121 : vector<1x16xi32> to vector<16xi32>
    %swap3A_123 = vector.shape_cast %add3A_117 : vector<16xi32> to vector<1x16xi32>
    tpu.vector_store %arg10[%swap3A_119, %swap3A_120], %swap3A_123 {strides = array<i32>} : memref<8x128xi32, #tpu.memory_space<vmem>>, vector<1x16xi32>,
    %add3A_124 = arith.constant 500000 : i32
    %add3A_125 = vector.broadcast %add3A_124 : i32 to vector<16xi32>
    %add3A_126 = arith.addi %get3A_78, %add3A_125 : vector<16xi32>
    %swap3A_127 = arith.constant 5 : i32
    %swap3A_128 = arith.index_cast %swap3A_127 : i32 to index
    %swap3A_129 = arith.constant 16 : index
    %swap3A_130 = tpu.vector_load %arg10[%swap3A_128, %swap3A_129] {strides = array<i32>} : memref<8x128xi32, #tpu.memory_space<vmem>>, vector<1x16xi32>,
    %swap3A_131 = vector.shape_cast %swap3A_130 : vector<1x16xi32> to vector<16xi32>
    %swap3A_132 = vector.shape_cast %add3A_126 : vector<16xi32> to vector<1x16xi32>
    tpu.vector_store %arg10[%swap3A_128, %swap3A_129], %swap3A_132 {strides = array<i32>} : memref<8x128xi32, #tpu.memory_space<vmem>>, vector<1x16xi32>,
    %add3A_133 = arith.constant 600000 : i32
    %add3A_134 = vector.broadcast %add3A_133 : i32 to vector<16xi32>
    %add3A_135 = arith.addi %get3A_78, %add3A_134 : vector<16xi32>
    %swap3A_136 = arith.constant 6 : i32
    %swap3A_137 = arith.index_cast %swap3A_136 : i32 to index
    %swap3A_138 = arith.constant 16 : index
    %swap3A_139 = tpu.vector_load %arg10[%swap3A_137, %swap3A_138] {strides = array<i32>} : memref<8x128xi32, #tpu.memory_space<vmem>>, vector<1x16xi32>,
    %swap3A_140 = vector.shape_cast %swap3A_139 : vector<1x16xi32> to vector<16xi32>
    %swap3A_141 = vector.shape_cast %add3A_135 : vector<16xi32> to vector<1x16xi32>
    tpu.vector_store %arg10[%swap3A_137, %swap3A_138], %swap3A_141 {strides = array<i32>} : memref<8x128xi32, #tpu.memory_space<vmem>>, vector<1x16xi32>,
    %add3A_142 = arith.constant 700000 : i32
    %add3A_143 = vector.broadcast %add3A_142 : i32 to vector<16xi32>
    %add3A_144 = arith.addi %get3A_78, %add3A_143 : vector<16xi32>
    %swap3A_145 = arith.constant 7 : i32
    %swap3A_146 = arith.index_cast %swap3A_145 : i32 to index
    %swap3A_147 = arith.constant 16 : index
    %swap3A_148 = tpu.vector_load %arg10[%swap3A_146, %swap3A_147] {strides = array<i32>} : memref<8x128xi32, #tpu.memory_space<vmem>>, vector<1x16xi32>,
    %swap3A_149 = vector.shape_cast %swap3A_148 : vector<1x16xi32> to vector<16xi32>
    %swap3A_150 = vector.shape_cast %add3A_144 : vector<16xi32> to vector<1x16xi32>
    tpu.vector_store %arg10[%swap3A_146, %swap3A_147], %swap3A_150 {strides = array<i32>} : memref<8x128xi32, #tpu.memory_space<vmem>>, vector<1x16xi32>,
    %get3A_151 = arith.constant 32 : index
    %get3A_152 = tpu.vector_load %arg9[%get3A_151] {strides = array<i32>} : memref<128xi32, #tpu.memory_space<vmem>>, vector<16xi32>,
    %get3A_153 = vector.shape_cast %get3A_152 : vector<16xi32> to vector<16xi32>
    %add3A_154 = arith.constant 0 : i32
    %add3A_155 = vector.broadcast %add3A_154 : i32 to vector<16xi32>
    %add3A_156 = arith.addi %get3A_153, %add3A_155 : vector<16xi32>
    %swap3A_157 = arith.constant 0 : i32
    %swap3A_158 = arith.index_cast %swap3A_157 : i32 to index
    %swap3A_159 = arith.constant 32 : index
    %swap3A_160 = tpu.vector_load %arg10[%swap3A_158, %swap3A_159] {strides = array<i32>} : memref<8x128xi32, #tpu.memory_space<vmem>>, vector<1x16xi32>,
    %swap3A_161 = vector.shape_cast %swap3A_160 : vector<1x16xi32> to vector<16xi32>
    %swap3A_162 = vector.shape_cast %add3A_156 : vector<16xi32> to vector<1x16xi32>
    tpu.vector_store %arg10[%swap3A_158, %swap3A_159], %swap3A_162 {strides = array<i32>} : memref<8x128xi32, #tpu.memory_space<vmem>>, vector<1x16xi32>,
    %add3A_163 = arith.constant 100000 : i32
    %add3A_164 = vector.broadcast %add3A_163 : i32 to vector<16xi32>
    %add3A_165 = arith.addi %get3A_153, %add3A_164 : vector<16xi32>
    %swap3A_166 = arith.constant 1 : i32
    %swap3A_167 = arith.index_cast %swap3A_166 : i32 to index
    %swap3A_168 = arith.constant 32 : index
    %swap3A_169 = tpu.vector_load %arg10[%swap3A_167, %swap3A_168] {strides = array<i32>} : memref<8x128xi32, #tpu.memory_space<vmem>>, vector<1x16xi32>,
    %swap3A_170 = vector.shape_cast %swap3A_169 : vector<1x16xi32> to vector<16xi32>
    %swap3A_171 = vector.shape_cast %add3A_165 : vector<16xi32> to vector<1x16xi32>
    tpu.vector_store %arg10[%swap3A_167, %swap3A_168], %swap3A_171 {strides = array<i32>} : memref<8x128xi32, #tpu.memory_space<vmem>>, vector<1x16xi32>,
    %add3A_172 = arith.constant 200000 : i32
    %add3A_173 = vector.broadcast %add3A_172 : i32 to vector<16xi32>
    %add3A_174 = arith.addi %get3A_153, %add3A_173 : vector<16xi32>
    %swap3A_175 = arith.constant 2 : i32
    %swap3A_176 = arith.index_cast %swap3A_175 : i32 to index
    %swap3A_177 = arith.constant 32 : index
    %swap3A_178 = tpu.vector_load %arg10[%swap3A_176, %swap3A_177] {strides = array<i32>} : memref<8x128xi32, #tpu.memory_space<vmem>>, vector<1x16xi32>,
    %swap3A_179 = vector.shape_cast %swap3A_178 : vector<1x16xi32> to vector<16xi32>
    %swap3A_180 = vector.shape_cast %add3A_174 : vector<16xi32> to vector<1x16xi32>
    tpu.vector_store %arg10[%swap3A_176, %swap3A_177], %swap3A_180 {strides = array<i32>} : memref<8x128xi32, #tpu.memory_space<vmem>>, vector<1x16xi32>,
    %add3A_181 = arith.constant 300000 : i32
    %add3A_182 = vector.broadcast %add3A_181 : i32 to vector<16xi32>
    %add3A_183 = arith.addi %get3A_153, %add3A_182 : vector<16xi32>
    %swap3A_184 = arith.constant 3 : i32
    %swap3A_185 = arith.index_cast %swap3A_184 : i32 to index
    %swap3A_186 = arith.constant 32 : index
    %swap3A_187 = tpu.vector_load %arg10[%swap3A_185, %swap3A_186] {strides = array<i32>} : memref<8x128xi32, #tpu.memory_space<vmem>>, vector<1x16xi32>,
    %swap3A_188 = vector.shape_cast %swap3A_187 : vector<1x16xi32> to vector<16xi32>
    %swap3A_189 = vector.shape_cast %add3A_183 : vector<16xi32> to vector<1x16xi32>
    tpu.vector_store %arg10[%swap3A_185, %swap3A_186], %swap3A_189 {strides = array<i32>} : memref<8x128xi32, #tpu.memory_space<vmem>>, vector<1x16xi32>,
    %add3A_190 = arith.constant 400000 : i32
    %add3A_191 = vector.broadcast %add3A_190 : i32 to vector<16xi32>
    %add3A_192 = arith.addi %get3A_153, %add3A_191 : vector<16xi32>
    %swap3A_193 = arith.constant 4 : i32
    %swap3A_194 = arith.index_cast %swap3A_193 : i32 to index
    %swap3A_195 = arith.constant 32 : index
    %swap3A_196 = tpu.vector_load %arg10[%swap3A_194, %swap3A_195] {strides = array<i32>} : memref<8x128xi32, #tpu.memory_space<vmem>>, vector<1x16xi32>,
    %swap3A_197 = vector.shape_cast %swap3A_196 : vector<1x16xi32> to vector<16xi32>
    %swap3A_198 = vector.shape_cast %add3A_192 : vector<16xi32> to vector<1x16xi32>
    tpu.vector_store %arg10[%swap3A_194, %swap3A_195], %swap3A_198 {strides = array<i32>} : memref<8x128xi32, #tpu.memory_space<vmem>>, vector<1x16xi32>,
    %add3A_199 = arith.constant 500000 : i32
    %add3A_200 = vector.broadcast %add3A_199 : i32 to vector<16xi32>
    %add3A_201 = arith.addi %get3A_153, %add3A_200 : vector<16xi32>
    %swap3A_202 = arith.constant 5 : i32
    %swap3A_203 = arith.index_cast %swap3A_202 : i32 to index
    %swap3A_204 = arith.constant 32 : index
    %swap3A_205 = tpu.vector_load %arg10[%swap3A_203, %swap3A_204] {strides = array<i32>} : memref<8x128xi32, #tpu.memory_space<vmem>>, vector<1x16xi32>,
    %swap3A_206 = vector.shape_cast %swap3A_205 : vector<1x16xi32> to vector<16xi32>
    %swap3A_207 = vector.shape_cast %add3A_201 : vector<16xi32> to vector<1x16xi32>
    tpu.vector_store %arg10[%swap3A_203, %swap3A_204], %swap3A_207 {strides = array<i32>} : memref<8x128xi32, #tpu.memory_space<vmem>>, vector<1x16xi32>,
    %add3A_208 = arith.constant 600000 : i32
    %add3A_209 = vector.broadcast %add3A_208 : i32 to vector<16xi32>
    %add3A_210 = arith.addi %get3A_153, %add3A_209 : vector<16xi32>
    %swap3A_211 = arith.constant 6 : i32
    %swap3A_212 = arith.index_cast %swap3A_211 : i32 to index
    %swap3A_213 = arith.constant 32 : index
    %swap3A_214 = tpu.vector_load %arg10[%swap3A_212, %swap3A_213] {strides = array<i32>} : memref<8x128xi32, #tpu.memory_space<vmem>>, vector<1x16xi32>,
    %swap3A_215 = vector.shape_cast %swap3A_214 : vector<1x16xi32> to vector<16xi32>
    %swap3A_216 = vector.shape_cast %add3A_210 : vector<16xi32> to vector<1x16xi32>
    tpu.vector_store %arg10[%swap3A_212, %swap3A_213], %swap3A_216 {strides = array<i32>} : memref<8x128xi32, #tpu.memory_space<vmem>>, vector<1x16xi32>,
    %add3A_217 = arith.constant 700000 : i32
    %add3A_218 = vector.broadcast %add3A_217 : i32 to vector<16xi32>
    %add3A_219 = arith.addi %get3A_153, %add3A_218 : vector<16xi32>
    %swap3A_220 = arith.constant 7 : i32
    %swap3A_221 = arith.index_cast %swap3A_220 : i32 to index
    %swap3A_222 = arith.constant 32 : index
    %swap3A_223 = tpu.vector_load %arg10[%swap3A_221, %swap3A_222] {strides = array<i32>} : memref<8x128xi32, #tpu.memory_space<vmem>>, vector<1x16xi32>,
    %swap3A_224 = vector.shape_cast %swap3A_223 : vector<1x16xi32> to vector<16xi32>
    %swap3A_225 = vector.shape_cast %add3A_219 : vector<16xi32> to vector<1x16xi32>
    tpu.vector_store %arg10[%swap3A_221, %swap3A_222], %swap3A_225 {strides = array<i32>} : memref<8x128xi32, #tpu.memory_space<vmem>>, vector<1x16xi32>,
    %get3A_226 = arith.constant 48 : index
    %get3A_227 = tpu.vector_load %arg9[%get3A_226] {strides = array<i32>} : memref<128xi32, #tpu.memory_space<vmem>>, vector<16xi32>,
    %get3A_228 = vector.shape_cast %get3A_227 : vector<16xi32> to vector<16xi32>
    %add3A_229 = arith.constant 0 : i32
    %add3A_230 = vector.broadcast %add3A_229 : i32 to vector<16xi32>
    %add3A_231 = arith.addi %get3A_228, %add3A_230 : vector<16xi32>
    %swap3A_232 = arith.constant 0 : i32
    %swap3A_233 = arith.index_cast %swap3A_232 : i32 to index
    %swap3A_234 = arith.constant 48 : index
    %swap3A_235 = tpu.vector_load %arg10[%swap3A_233, %swap3A_234] {strides = array<i32>} : memref<8x128xi32, #tpu.memory_space<vmem>>, vector<1x16xi32>,
    %swap3A_236 = vector.shape_cast %swap3A_235 : vector<1x16xi32> to vector<16xi32>
    %swap3A_237 = vector.shape_cast %add3A_231 : vector<16xi32> to vector<1x16xi32>
    tpu.vector_store %arg10[%swap3A_233, %swap3A_234], %swap3A_237 {strides = array<i32>} : memref<8x128xi32, #tpu.memory_space<vmem>>, vector<1x16xi32>,
    %add3A_238 = arith.constant 100000 : i32
    %add3A_239 = vector.broadcast %add3A_238 : i32 to vector<16xi32>
    %add3A_240 = arith.addi %get3A_228, %add3A_239 : vector<16xi32>
    %swap3A_241 = arith.constant 1 : i32
    %swap3A_242 = arith.index_cast %swap3A_241 : i32 to index
    %swap3A_243 = arith.constant 48 : index
    %swap3A_244 = tpu.vector_load %arg10[%swap3A_242, %swap3A_243] {strides = array<i32>} : memref<8x128xi32, #tpu.memory_space<vmem>>, vector<1x16xi32>,
    %swap3A_245 = vector.shape_cast %swap3A_244 : vector<1x16xi32> to vector<16xi32>
    %swap3A_246 = vector.shape_cast %add3A_240 : vector<16xi32> to vector<1x16xi32>
    tpu.vector_store %arg10[%swap3A_242, %swap3A_243], %swap3A_246 {strides = array<i32>} : memref<8x128xi32, #tpu.memory_space<vmem>>, vector<1x16xi32>,
    %add3A_247 = arith.constant 200000 : i32
    %add3A_248 = vector.broadcast %add3A_247 : i32 to vector<16xi32>
    %add3A_249 = arith.addi %get3A_228, %add3A_248 : vector<16xi32>
    %swap3A_250 = arith.constant 2 : i32
    %swap3A_251 = arith.index_cast %swap3A_250 : i32 to index
    %swap3A_252 = arith.constant 48 : index
    %swap3A_253 = tpu.vector_load %arg10[%swap3A_251, %swap3A_252] {strides = array<i32>} : memref<8x128xi32, #tpu.memory_space<vmem>>, vector<1x16xi32>,
    %swap3A_254 = vector.shape_cast %swap3A_253 : vector<1x16xi32> to vector<16xi32>
    %swap3A_255 = vector.shape_cast %add3A_249 : vector<16xi32> to vector<1x16xi32>
    tpu.vector_store %arg10[%swap3A_251, %swap3A_252], %swap3A_255 {strides = array<i32>} : memref<8x128xi32, #tpu.memory_space<vmem>>, vector<1x16xi32>,
    %add3A_256 = arith.constant 300000 : i32
    %add3A_257 = vector.broadcast %add3A_256 : i32 to vector<16xi32>
    %add3A_258 = arith.addi %get3A_228, %add3A_257 : vector<16xi32>
    %swap3A_259 = arith.constant 3 : i32
    %swap3A_260 = arith.index_cast %swap3A_259 : i32 to index
    %swap3A_261 = arith.constant 48 : index
    %swap3A_262 = tpu.vector_load %arg10[%swap3A_260, %swap3A_261] {strides = array<i32>} : memref<8x128xi32, #tpu.memory_space<vmem>>, vector<1x16xi32>,
    %swap3A_263 = vector.shape_cast %swap3A_262 : vector<1x16xi32> to vector<16xi32>
    %swap3A_264 = vector.shape_cast %add3A_258 : vector<16xi32> to vector<1x16xi32>
    tpu.vector_store %arg10[%swap3A_260, %swap3A_261], %swap3A_264 {strides = array<i32>} : memref<8x128xi32, #tpu.memory_space<vmem>>, vector<1x16xi32>,
    %add3A_265 = arith.constant 400000 : i32
    %add3A_266 = vector.broadcast %add3A_265 : i32 to vector<16xi32>
    %add3A_267 = arith.addi %get3A_228, %add3A_266 : vector<16xi32>
    %swap3A_268 = arith.constant 4 : i32
    %swap3A_269 = arith.index_cast %swap3A_268 : i32 to index
    %swap3A_270 = arith.constant 48 : index
    %swap3A_271 = tpu.vector_load %arg10[%swap3A_269, %swap3A_270] {strides = array<i32>} : memref<8x128xi32, #tpu.memory_space<vmem>>, vector<1x16xi32>,
    %swap3A_272 = vector.shape_cast %swap3A_271 : vector<1x16xi32> to vector<16xi32>
    %swap3A_273 = vector.shape_cast %add3A_267 : vector<16xi32> to vector<1x16xi32>
    tpu.vector_store %arg10[%swap3A_269, %swap3A_270], %swap3A_273 {strides = array<i32>} : memref<8x128xi32, #tpu.memory_space<vmem>>, vector<1x16xi32>,
    %add3A_274 = arith.constant 500000 : i32
    %add3A_275 = vector.broadcast %add3A_274 : i32 to vector<16xi32>
    %add3A_276 = arith.addi %get3A_228, %add3A_275 : vector<16xi32>
    %swap3A_277 = arith.constant 5 : i32
    %swap3A_278 = arith.index_cast %swap3A_277 : i32 to index
    %swap3A_279 = arith.constant 48 : index
    %swap3A_280 = tpu.vector_load %arg10[%swap3A_278, %swap3A_279] {strides = array<i32>} : memref<8x128xi32, #tpu.memory_space<vmem>>, vector<1x16xi32>,
    %swap3A_281 = vector.shape_cast %swap3A_280 : vector<1x16xi32> to vector<16xi32>
    %swap3A_282 = vector.shape_cast %add3A_276 : vector<16xi32> to vector<1x16xi32>
    tpu.vector_store %arg10[%swap3A_278, %swap3A_279], %swap3A_282 {strides = array<i32>} : memref<8x128xi32, #tpu.memory_space<vmem>>, vector<1x16xi32>,
    %add3A_283 = arith.constant 600000 : i32
    %add3A_284 = vector.broadcast %add3A_283 : i32 to vector<16xi32>
    %add3A_285 = arith.addi %get3A_228, %add3A_284 : vector<16xi32>
    %swap3A_286 = arith.constant 6 : i32
    %swap3A_287 = arith.index_cast %swap3A_286 : i32 to index
    %swap3A_288 = arith.constant 48 : index
    %swap3A_289 = tpu.vector_load %arg10[%swap3A_287, %swap3A_288] {strides = array<i32>} : memref<8x128xi32, #tpu.memory_space<vmem>>, vector<1x16xi32>,
    %swap3A_290 = vector.shape_cast %swap3A_289 : vector<1x16xi32> to vector<16xi32>
    %swap3A_291 = vector.shape_cast %add3A_285 : vector<16xi32> to vector<1x16xi32>
    tpu.vector_store %arg10[%swap3A_287, %swap3A_288], %swap3A_291 {strides = array<i32>} : memref<8x128xi32, #tpu.memory_space<vmem>>, vector<1x16xi32>,
    %add3A_292 = arith.constant 700000 : i32
    %add3A_293 = vector.broadcast %add3A_292 : i32 to vector<16xi32>
    %add3A_294 = arith.addi %get3A_228, %add3A_293 : vector<16xi32>
    %swap3A_295 = arith.constant 7 : i32
    %swap3A_296 = arith.index_cast %swap3A_295 : i32 to index
    %swap3A_297 = arith.constant 48 : index
    %swap3A_298 = tpu.vector_load %arg10[%swap3A_296, %swap3A_297] {strides = array<i32>} : memref<8x128xi32, #tpu.memory_space<vmem>>, vector<1x16xi32>,
    %swap3A_299 = vector.shape_cast %swap3A_298 : vector<1x16xi32> to vector<16xi32>
    %swap3A_300 = vector.shape_cast %add3A_294 : vector<16xi32> to vector<1x16xi32>
    tpu.vector_store %arg10[%swap3A_296, %swap3A_297], %swap3A_300 {strides = array<i32>} : memref<8x128xi32, #tpu.memory_space<vmem>>, vector<1x16xi32>,
    %get3A_301 = arith.constant 64 : index
    %get3A_302 = tpu.vector_load %arg9[%get3A_301] {strides = array<i32>} : memref<128xi32, #tpu.memory_space<vmem>>, vector<16xi32>,
    %get3A_303 = vector.shape_cast %get3A_302 : vector<16xi32> to vector<16xi32>
    %add3A_304 = arith.constant 0 : i32
    %add3A_305 = vector.broadcast %add3A_304 : i32 to vector<16xi32>
    %add3A_306 = arith.addi %get3A_303, %add3A_305 : vector<16xi32>
    %swap3A_307 = arith.constant 0 : i32
    %swap3A_308 = arith.index_cast %swap3A_307 : i32 to index
    %swap3A_309 = arith.constant 64 : index
    %swap3A_310 = tpu.vector_load %arg10[%swap3A_308, %swap3A_309] {strides = array<i32>} : memref<8x128xi32, #tpu.memory_space<vmem>>, vector<1x16xi32>,
    %swap3A_311 = vector.shape_cast %swap3A_310 : vector<1x16xi32> to vector<16xi32>
    %swap3A_312 = vector.shape_cast %add3A_306 : vector<16xi32> to vector<1x16xi32>
    tpu.vector_store %arg10[%swap3A_308, %swap3A_309], %swap3A_312 {strides = array<i32>} : memref<8x128xi32, #tpu.memory_space<vmem>>, vector<1x16xi32>,
    %add3A_313 = arith.constant 100000 : i32
    %add3A_314 = vector.broadcast %add3A_313 : i32 to vector<16xi32>
    %add3A_315 = arith.addi %get3A_303, %add3A_314 : vector<16xi32>
    %swap3A_316 = arith.constant 1 : i32
    %swap3A_317 = arith.index_cast %swap3A_316 : i32 to index
    %swap3A_318 = arith.constant 64 : index
    %swap3A_319 = tpu.vector_load %arg10[%swap3A_317, %swap3A_318] {strides = array<i32>} : memref<8x128xi32, #tpu.memory_space<vmem>>, vector<1x16xi32>,
    %swap3A_320 = vector.shape_cast %swap3A_319 : vector<1x16xi32> to vector<16xi32>
    %swap3A_321 = vector.shape_cast %add3A_315 : vector<16xi32> to vector<1x16xi32>
    tpu.vector_store %arg10[%swap3A_317, %swap3A_318], %swap3A_321 {strides = array<i32>} : memref<8x128xi32, #tpu.memory_space<vmem>>, vector<1x16xi32>,
    %add3A_322 = arith.constant 200000 : i32
    %add3A_323 = vector.broadcast %add3A_322 : i32 to vector<16xi32>
    %add3A_324 = arith.addi %get3A_303, %add3A_323 : vector<16xi32>
    %swap3A_325 = arith.constant 2 : i32
    %swap3A_326 = arith.index_cast %swap3A_325 : i32 to index
    %swap3A_327 = arith.constant 64 : index
    %swap3A_328 = tpu.vector_load %arg10[%swap3A_326, %swap3A_327] {strides = array<i32>} : memref<8x128xi32, #tpu.memory_space<vmem>>, vector<1x16xi32>,
    %swap3A_329 = vector.shape_cast %swap3A_328 : vector<1x16xi32> to vector<16xi32>
    %swap3A_330 = vector.shape_cast %add3A_324 : vector<16xi32> to vector<1x16xi32>
    tpu.vector_store %arg10[%swap3A_326, %swap3A_327], %swap3A_330 {strides = array<i32>} : memref<8x128xi32, #tpu.memory_space<vmem>>, vector<1x16xi32>,
    %add3A_331 = arith.constant 300000 : i32
    %add3A_332 = vector.broadcast %add3A_331 : i32 to vector<16xi32>
    %add3A_333 = arith.addi %get3A_303, %add3A_332 : vector<16xi32>
    %swap3A_334 = arith.constant 3 : i32
    %swap3A_335 = arith.index_cast %swap3A_334 : i32 to index
    %swap3A_336 = arith.constant 64 : index
    %swap3A_337 = tpu.vector_load %arg10[%swap3A_335, %swap3A_336] {strides = array<i32>} : memref<8x128xi32, #tpu.memory_space<vmem>>, vector<1x16xi32>,
    %swap3A_338 = vector.shape_cast %swap3A_337 : vector<1x16xi32> to vector<16xi32>
    %swap3A_339 = vector.shape_cast %add3A_333 : vector<16xi32> to vector<1x16xi32>
    tpu.vector_store %arg10[%swap3A_335, %swap3A_336], %swap3A_339 {strides = array<i32>} : memref<8x128xi32, #tpu.memory_space<vmem>>, vector<1x16xi32>,
    %add3A_340 = arith.constant 400000 : i32
    %add3A_341 = vector.broadcast %add3A_340 : i32 to vector<16xi32>
    %add3A_342 = arith.addi %get3A_303, %add3A_341 : vector<16xi32>
    %swap3A_343 = arith.constant 4 : i32
    %swap3A_344 = arith.index_cast %swap3A_343 : i32 to index
    %swap3A_345 = arith.constant 64 : index
    %swap3A_346 = tpu.vector_load %arg10[%swap3A_344, %swap3A_345] {strides = array<i32>} : memref<8x128xi32, #tpu.memory_space<vmem>>, vector<1x16xi32>,
    %swap3A_347 = vector.shape_cast %swap3A_346 : vector<1x16xi32> to vector<16xi32>
    %swap3A_348 = vector.shape_cast %add3A_342 : vector<16xi32> to vector<1x16xi32>
    tpu.vector_store %arg10[%swap3A_344, %swap3A_345], %swap3A_348 {strides = array<i32>} : memref<8x128xi32, #tpu.memory_space<vmem>>, vector<1x16xi32>,
    %add3A_349 = arith.constant 500000 : i32
    %add3A_350 = vector.broadcast %add3A_349 : i32 to vector<16xi32>
    %add3A_351 = arith.addi %get3A_303, %add3A_350 : vector<16xi32>
    %swap3A_352 = arith.constant 5 : i32
    %swap3A_353 = arith.index_cast %swap3A_352 : i32 to index
    %swap3A_354 = arith.constant 64 : index
    %swap3A_355 = tpu.vector_load %arg10[%swap3A_353, %swap3A_354] {strides = array<i32>} : memref<8x128xi32, #tpu.memory_space<vmem>>, vector<1x16xi32>,
    %swap3A_356 = vector.shape_cast %swap3A_355 : vector<1x16xi32> to vector<16xi32>
    %swap3A_357 = vector.shape_cast %add3A_351 : vector<16xi32> to vector<1x16xi32>
    tpu.vector_store %arg10[%swap3A_353, %swap3A_354], %swap3A_357 {strides = array<i32>} : memref<8x128xi32, #tpu.memory_space<vmem>>, vector<1x16xi32>,
    %add3A_358 = arith.constant 600000 : i32
    %add3A_359 = vector.broadcast %add3A_358 : i32 to vector<16xi32>
    %add3A_360 = arith.addi %get3A_303, %add3A_359 : vector<16xi32>
    %swap3A_361 = arith.constant 6 : i32
    %swap3A_362 = arith.index_cast %swap3A_361 : i32 to index
    %swap3A_363 = arith.constant 64 : index
    %swap3A_364 = tpu.vector_load %arg10[%swap3A_362, %swap3A_363] {strides = array<i32>} : memref<8x128xi32, #tpu.memory_space<vmem>>, vector<1x16xi32>,
    %swap3A_365 = vector.shape_cast %swap3A_364 : vector<1x16xi32> to vector<16xi32>
    %swap3A_366 = vector.shape_cast %add3A_360 : vector<16xi32> to vector<1x16xi32>
    tpu.vector_store %arg10[%swap3A_362, %swap3A_363], %swap3A_366 {strides = array<i32>} : memref<8x128xi32, #tpu.memory_space<vmem>>, vector<1x16xi32>,
    %add3A_367 = arith.constant 700000 : i32
    %add3A_368 = vector.broadcast %add3A_367 : i32 to vector<16xi32>
    %add3A_369 = arith.addi %get3A_303, %add3A_368 : vector<16xi32>
    %swap3A_370 = arith.constant 7 : i32
    %swap3A_371 = arith.index_cast %swap3A_370 : i32 to index
    %swap3A_372 = arith.constant 64 : index
    %swap3A_373 = tpu.vector_load %arg10[%swap3A_371, %swap3A_372] {strides = array<i32>} : memref<8x128xi32, #tpu.memory_space<vmem>>, vector<1x16xi32>,
    %swap3A_374 = vector.shape_cast %swap3A_373 : vector<1x16xi32> to vector<16xi32>
    %swap3A_375 = vector.shape_cast %add3A_369 : vector<16xi32> to vector<1x16xi32>
    tpu.vector_store %arg10[%swap3A_371, %swap3A_372], %swap3A_375 {strides = array<i32>} : memref<8x128xi32, #tpu.memory_space<vmem>>, vector<1x16xi32>,
    %get3A_376 = arith.constant 80 : index
    %get3A_377 = tpu.vector_load %arg9[%get3A_376] {strides = array<i32>} : memref<128xi32, #tpu.memory_space<vmem>>, vector<16xi32>,
    %get3A_378 = vector.shape_cast %get3A_377 : vector<16xi32> to vector<16xi32>
    %add3A_379 = arith.constant 0 : i32
    %add3A_380 = vector.broadcast %add3A_379 : i32 to vector<16xi32>
    %add3A_381 = arith.addi %get3A_378, %add3A_380 : vector<16xi32>
    %swap3A_382 = arith.constant 0 : i32
    %swap3A_383 = arith.index_cast %swap3A_382 : i32 to index
    %swap3A_384 = arith.constant 80 : index
    %swap3A_385 = tpu.vector_load %arg10[%swap3A_383, %swap3A_384] {strides = array<i32>} : memref<8x128xi32, #tpu.memory_space<vmem>>, vector<1x16xi32>,
    %swap3A_386 = vector.shape_cast %swap3A_385 : vector<1x16xi32> to vector<16xi32>
    %swap3A_387 = vector.shape_cast %add3A_381 : vector<16xi32> to vector<1x16xi32>
    tpu.vector_store %arg10[%swap3A_383, %swap3A_384], %swap3A_387 {strides = array<i32>} : memref<8x128xi32, #tpu.memory_space<vmem>>, vector<1x16xi32>,
    %add3A_388 = arith.constant 100000 : i32
    %add3A_389 = vector.broadcast %add3A_388 : i32 to vector<16xi32>
    %add3A_390 = arith.addi %get3A_378, %add3A_389 : vector<16xi32>
    %swap3A_391 = arith.constant 1 : i32
    %swap3A_392 = arith.index_cast %swap3A_391 : i32 to index
    %swap3A_393 = arith.constant 80 : index
    %swap3A_394 = tpu.vector_load %arg10[%swap3A_392, %swap3A_393] {strides = array<i32>} : memref<8x128xi32, #tpu.memory_space<vmem>>, vector<1x16xi32>,
    %swap3A_395 = vector.shape_cast %swap3A_394 : vector<1x16xi32> to vector<16xi32>
    %swap3A_396 = vector.shape_cast %add3A_390 : vector<16xi32> to vector<1x16xi32>
    tpu.vector_store %arg10[%swap3A_392, %swap3A_393], %swap3A_396 {strides = array<i32>} : memref<8x128xi32, #tpu.memory_space<vmem>>, vector<1x16xi32>,
    %add3A_397 = arith.constant 200000 : i32
    %add3A_398 = vector.broadcast %add3A_397 : i32 to vector<16xi32>
    %add3A_399 = arith.addi %get3A_378, %add3A_398 : vector<16xi32>
    %swap3A_400 = arith.constant 2 : i32
    %swap3A_401 = arith.index_cast %swap3A_400 : i32 to index
    %swap3A_402 = arith.constant 80 : index
    %swap3A_403 = tpu.vector_load %arg10[%swap3A_401, %swap3A_402] {strides = array<i32>} : memref<8x128xi32, #tpu.memory_space<vmem>>, vector<1x16xi32>,
    %swap3A_404 = vector.shape_cast %swap3A_403 : vector<1x16xi32> to vector<16xi32>
    %swap3A_405 = vector.shape_cast %add3A_399 : vector<16xi32> to vector<1x16xi32>
    tpu.vector_store %arg10[%swap3A_401, %swap3A_402], %swap3A_405 {strides = array<i32>} : memref<8x128xi32, #tpu.memory_space<vmem>>, vector<1x16xi32>,
    %add3A_406 = arith.constant 300000 : i32
    %add3A_407 = vector.broadcast %add3A_406 : i32 to vector<16xi32>
    %add3A_408 = arith.addi %get3A_378, %add3A_407 : vector<16xi32>
    %swap3A_409 = arith.constant 3 : i32
    %swap3A_410 = arith.index_cast %swap3A_409 : i32 to index
    %swap3A_411 = arith.constant 80 : index
    %swap3A_412 = tpu.vector_load %arg10[%swap3A_410, %swap3A_411] {strides = array<i32>} : memref<8x128xi32, #tpu.memory_space<vmem>>, vector<1x16xi32>,
    %swap3A_413 = vector.shape_cast %swap3A_412 : vector<1x16xi32> to vector<16xi32>
    %swap3A_414 = vector.shape_cast %add3A_408 : vector<16xi32> to vector<1x16xi32>
    tpu.vector_store %arg10[%swap3A_410, %swap3A_411], %swap3A_414 {strides = array<i32>} : memref<8x128xi32, #tpu.memory_space<vmem>>, vector<1x16xi32>,
    %add3A_415 = arith.constant 400000 : i32
    %add3A_416 = vector.broadcast %add3A_415 : i32 to vector<16xi32>
    %add3A_417 = arith.addi %get3A_378, %add3A_416 : vector<16xi32>
    %swap3A_418 = arith.constant 4 : i32
    %swap3A_419 = arith.index_cast %swap3A_418 : i32 to index
    %swap3A_420 = arith.constant 80 : index
    %swap3A_421 = tpu.vector_load %arg10[%swap3A_419, %swap3A_420] {strides = array<i32>} : memref<8x128xi32, #tpu.memory_space<vmem>>, vector<1x16xi32>,
    %swap3A_422 = vector.shape_cast %swap3A_421 : vector<1x16xi32> to vector<16xi32>
    %swap3A_423 = vector.shape_cast %add3A_417 : vector<16xi32> to vector<1x16xi32>
    tpu.vector_store %arg10[%swap3A_419, %swap3A_420], %swap3A_423 {strides = array<i32>} : memref<8x128xi32, #tpu.memory_space<vmem>>, vector<1x16xi32>,
    %add3A_424 = arith.constant 500000 : i32
    %add3A_425 = vector.broadcast %add3A_424 : i32 to vector<16xi32>
    %add3A_426 = arith.addi %get3A_378, %add3A_425 : vector<16xi32>
    %swap3A_427 = arith.constant 5 : i32
    %swap3A_428 = arith.index_cast %swap3A_427 : i32 to index
    %swap3A_429 = arith.constant 80 : index
    %swap3A_430 = tpu.vector_load %arg10[%swap3A_428, %swap3A_429] {strides = array<i32>} : memref<8x128xi32, #tpu.memory_space<vmem>>, vector<1x16xi32>,
    %swap3A_431 = vector.shape_cast %swap3A_430 : vector<1x16xi32> to vector<16xi32>
    %swap3A_432 = vector.shape_cast %add3A_426 : vector<16xi32> to vector<1x16xi32>
    tpu.vector_store %arg10[%swap3A_428, %swap3A_429], %swap3A_432 {strides = array<i32>} : memref<8x128xi32, #tpu.memory_space<vmem>>, vector<1x16xi32>,
    %add3A_433 = arith.constant 600000 : i32
    %add3A_434 = vector.broadcast %add3A_433 : i32 to vector<16xi32>
    %add3A_435 = arith.addi %get3A_378, %add3A_434 : vector<16xi32>
    %swap3A_436 = arith.constant 6 : i32
    %swap3A_437 = arith.index_cast %swap3A_436 : i32 to index
    %swap3A_438 = arith.constant 80 : index
    %swap3A_439 = tpu.vector_load %arg10[%swap3A_437, %swap3A_438] {strides = array<i32>} : memref<8x128xi32, #tpu.memory_space<vmem>>, vector<1x16xi32>,
    %swap3A_440 = vector.shape_cast %swap3A_439 : vector<1x16xi32> to vector<16xi32>
    %swap3A_441 = vector.shape_cast %add3A_435 : vector<16xi32> to vector<1x16xi32>
    tpu.vector_store %arg10[%swap3A_437, %swap3A_438], %swap3A_441 {strides = array<i32>} : memref<8x128xi32, #tpu.memory_space<vmem>>, vector<1x16xi32>,
    %add3A_442 = arith.constant 700000 : i32
    %add3A_443 = vector.broadcast %add3A_442 : i32 to vector<16xi32>
    %add3A_444 = arith.addi %get3A_378, %add3A_443 : vector<16xi32>
    %swap3A_445 = arith.constant 7 : i32
    %swap3A_446 = arith.index_cast %swap3A_445 : i32 to index
    %swap3A_447 = arith.constant 80 : index
    %swap3A_448 = tpu.vector_load %arg10[%swap3A_446, %swap3A_447] {strides = array<i32>} : memref<8x128xi32, #tpu.memory_space<vmem>>, vector<1x16xi32>,
    %swap3A_449 = vector.shape_cast %swap3A_448 : vector<1x16xi32> to vector<16xi32>
    %swap3A_450 = vector.shape_cast %add3A_444 : vector<16xi32> to vector<1x16xi32>
    tpu.vector_store %arg10[%swap3A_446, %swap3A_447], %swap3A_450 {strides = array<i32>} : memref<8x128xi32, #tpu.memory_space<vmem>>, vector<1x16xi32>,
    %get3A_451 = arith.constant 96 : index
    %get3A_452 = tpu.vector_load %arg9[%get3A_451] {strides = array<i32>} : memref<128xi32, #tpu.memory_space<vmem>>, vector<16xi32>,
    %get3A_453 = vector.shape_cast %get3A_452 : vector<16xi32> to vector<16xi32>
    %add3A_454 = arith.constant 0 : i32
    %add3A_455 = vector.broadcast %add3A_454 : i32 to vector<16xi32>
    %add3A_456 = arith.addi %get3A_453, %add3A_455 : vector<16xi32>
    %swap3A_457 = arith.constant 0 : i32
    %swap3A_458 = arith.index_cast %swap3A_457 : i32 to index
    %swap3A_459 = arith.constant 96 : index
    %swap3A_460 = tpu.vector_load %arg10[%swap3A_458, %swap3A_459] {strides = array<i32>} : memref<8x128xi32, #tpu.memory_space<vmem>>, vector<1x16xi32>,
    %swap3A_461 = vector.shape_cast %swap3A_460 : vector<1x16xi32> to vector<16xi32>
    %swap3A_462 = vector.shape_cast %add3A_456 : vector<16xi32> to vector<1x16xi32>
    tpu.vector_store %arg10[%swap3A_458, %swap3A_459], %swap3A_462 {strides = array<i32>} : memref<8x128xi32, #tpu.memory_space<vmem>>, vector<1x16xi32>,
    %add3A_463 = arith.constant 100000 : i32
    %add3A_464 = vector.broadcast %add3A_463 : i32 to vector<16xi32>
    %add3A_465 = arith.addi %get3A_453, %add3A_464 : vector<16xi32>
    %swap3A_466 = arith.constant 1 : i32
    %swap3A_467 = arith.index_cast %swap3A_466 : i32 to index
    %swap3A_468 = arith.constant 96 : index
    %swap3A_469 = tpu.vector_load %arg10[%swap3A_467, %swap3A_468] {strides = array<i32>} : memref<8x128xi32, #tpu.memory_space<vmem>>, vector<1x16xi32>,
    %swap3A_470 = vector.shape_cast %swap3A_469 : vector<1x16xi32> to vector<16xi32>
    %swap3A_471 = vector.shape_cast %add3A_465 : vector<16xi32> to vector<1x16xi32>
    tpu.vector_store %arg10[%swap3A_467, %swap3A_468], %swap3A_471 {strides = array<i32>} : memref<8x128xi32, #tpu.memory_space<vmem>>, vector<1x16xi32>,
    %add3A_472 = arith.constant 200000 : i32
    %add3A_473 = vector.broadcast %add3A_472 : i32 to vector<16xi32>
    %add3A_474 = arith.addi %get3A_453, %add3A_473 : vector<16xi32>
    %swap3A_475 = arith.constant 2 : i32
    %swap3A_476 = arith.index_cast %swap3A_475 : i32 to index
    %swap3A_477 = arith.constant 96 : index
    %swap3A_478 = tpu.vector_load %arg10[%swap3A_476, %swap3A_477] {strides = array<i32>} : memref<8x128xi32, #tpu.memory_space<vmem>>, vector<1x16xi32>,
    %swap3A_479 = vector.shape_cast %swap3A_478 : vector<1x16xi32> to vector<16xi32>
    %swap3A_480 = vector.shape_cast %add3A_474 : vector<16xi32> to vector<1x16xi32>
    tpu.vector_store %arg10[%swap3A_476, %swap3A_477], %swap3A_480 {strides = array<i32>} : memref<8x128xi32, #tpu.memory_space<vmem>>, vector<1x16xi32>,
    %add3A_481 = arith.constant 300000 : i32
    %add3A_482 = vector.broadcast %add3A_481 : i32 to vector<16xi32>
    %add3A_483 = arith.addi %get3A_453, %add3A_482 : vector<16xi32>
    %swap3A_484 = arith.constant 3 : i32
    %swap3A_485 = arith.index_cast %swap3A_484 : i32 to index
    %swap3A_486 = arith.constant 96 : index
    %swap3A_487 = tpu.vector_load %arg10[%swap3A_485, %swap3A_486] {strides = array<i32>} : memref<8x128xi32, #tpu.memory_space<vmem>>, vector<1x16xi32>,
    %swap3A_488 = vector.shape_cast %swap3A_487 : vector<1x16xi32> to vector<16xi32>
    %swap3A_489 = vector.shape_cast %add3A_483 : vector<16xi32> to vector<1x16xi32>
    tpu.vector_store %arg10[%swap3A_485, %swap3A_486], %swap3A_489 {strides = array<i32>} : memref<8x128xi32, #tpu.memory_space<vmem>>, vector<1x16xi32>,
    %add3A_490 = arith.constant 400000 : i32
    %add3A_491 = vector.broadcast %add3A_490 : i32 to vector<16xi32>
    %add3A_492 = arith.addi %get3A_453, %add3A_491 : vector<16xi32>
    %swap3A_493 = arith.constant 4 : i32
    %swap3A_494 = arith.index_cast %swap3A_493 : i32 to index
    %swap3A_495 = arith.constant 96 : index
    %swap3A_496 = tpu.vector_load %arg10[%swap3A_494, %swap3A_495] {strides = array<i32>} : memref<8x128xi32, #tpu.memory_space<vmem>>, vector<1x16xi32>,
    %swap3A_497 = vector.shape_cast %swap3A_496 : vector<1x16xi32> to vector<16xi32>
    %swap3A_498 = vector.shape_cast %add3A_492 : vector<16xi32> to vector<1x16xi32>
    tpu.vector_store %arg10[%swap3A_494, %swap3A_495], %swap3A_498 {strides = array<i32>} : memref<8x128xi32, #tpu.memory_space<vmem>>, vector<1x16xi32>,
    %add3A_499 = arith.constant 500000 : i32
    %add3A_500 = vector.broadcast %add3A_499 : i32 to vector<16xi32>
    %add3A_501 = arith.addi %get3A_453, %add3A_500 : vector<16xi32>
    %swap3A_502 = arith.constant 5 : i32
    %swap3A_503 = arith.index_cast %swap3A_502 : i32 to index
    %swap3A_504 = arith.constant 96 : index
    %swap3A_505 = tpu.vector_load %arg10[%swap3A_503, %swap3A_504] {strides = array<i32>} : memref<8x128xi32, #tpu.memory_space<vmem>>, vector<1x16xi32>,
    %swap3A_506 = vector.shape_cast %swap3A_505 : vector<1x16xi32> to vector<16xi32>
    %swap3A_507 = vector.shape_cast %add3A_501 : vector<16xi32> to vector<1x16xi32>
    tpu.vector_store %arg10[%swap3A_503, %swap3A_504], %swap3A_507 {strides = array<i32>} : memref<8x128xi32, #tpu.memory_space<vmem>>, vector<1x16xi32>,
    %add3A_508 = arith.constant 600000 : i32
    %add3A_509 = vector.broadcast %add3A_508 : i32 to vector<16xi32>
    %add3A_510 = arith.addi %get3A_453, %add3A_509 : vector<16xi32>
    %swap3A_511 = arith.constant 6 : i32
    %swap3A_512 = arith.index_cast %swap3A_511 : i32 to index
    %swap3A_513 = arith.constant 96 : index
    %swap3A_514 = tpu.vector_load %arg10[%swap3A_512, %swap3A_513] {strides = array<i32>} : memref<8x128xi32, #tpu.memory_space<vmem>>, vector<1x16xi32>,
    %swap3A_515 = vector.shape_cast %swap3A_514 : vector<1x16xi32> to vector<16xi32>
    %swap3A_516 = vector.shape_cast %add3A_510 : vector<16xi32> to vector<1x16xi32>
    tpu.vector_store %arg10[%swap3A_512, %swap3A_513], %swap3A_516 {strides = array<i32>} : memref<8x128xi32, #tpu.memory_space<vmem>>, vector<1x16xi32>,
    %add3A_517 = arith.constant 700000 : i32
    %add3A_518 = vector.broadcast %add3A_517 : i32 to vector<16xi32>
    %add3A_519 = arith.addi %get3A_453, %add3A_518 : vector<16xi32>
    %swap3A_520 = arith.constant 7 : i32
    %swap3A_521 = arith.index_cast %swap3A_520 : i32 to index
    %swap3A_522 = arith.constant 96 : index
    %swap3A_523 = tpu.vector_load %arg10[%swap3A_521, %swap3A_522] {strides = array<i32>} : memref<8x128xi32, #tpu.memory_space<vmem>>, vector<1x16xi32>,
    %swap3A_524 = vector.shape_cast %swap3A_523 : vector<1x16xi32> to vector<16xi32>
    %swap3A_525 = vector.shape_cast %add3A_519 : vector<16xi32> to vector<1x16xi32>
    tpu.vector_store %arg10[%swap3A_521, %swap3A_522], %swap3A_525 {strides = array<i32>} : memref<8x128xi32, #tpu.memory_space<vmem>>, vector<1x16xi32>,
    %get3A_526 = arith.constant 112 : index
    %get3A_527 = tpu.vector_load %arg9[%get3A_526] {strides = array<i32>} : memref<128xi32, #tpu.memory_space<vmem>>, vector<16xi32>,
    %get3A_528 = vector.shape_cast %get3A_527 : vector<16xi32> to vector<16xi32>
    %add3A_529 = arith.constant 0 : i32
    %add3A_530 = vector.broadcast %add3A_529 : i32 to vector<16xi32>
    %add3A_531 = arith.addi %get3A_528, %add3A_530 : vector<16xi32>
    %swap3A_532 = arith.constant 0 : i32
    %swap3A_533 = arith.index_cast %swap3A_532 : i32 to index
    %swap3A_534 = arith.constant 112 : index
    %swap3A_535 = tpu.vector_load %arg10[%swap3A_533, %swap3A_534] {strides = array<i32>} : memref<8x128xi32, #tpu.memory_space<vmem>>, vector<1x16xi32>,
    %swap3A_536 = vector.shape_cast %swap3A_535 : vector<1x16xi32> to vector<16xi32>
    %swap3A_537 = vector.shape_cast %add3A_531 : vector<16xi32> to vector<1x16xi32>
    tpu.vector_store %arg10[%swap3A_533, %swap3A_534], %swap3A_537 {strides = array<i32>} : memref<8x128xi32, #tpu.memory_space<vmem>>, vector<1x16xi32>,
    %add3A_538 = arith.constant 100000 : i32
    %add3A_539 = vector.broadcast %add3A_538 : i32 to vector<16xi32>
    %add3A_540 = arith.addi %get3A_528, %add3A_539 : vector<16xi32>
    %swap3A_541 = arith.constant 1 : i32
    %swap3A_542 = arith.index_cast %swap3A_541 : i32 to index
    %swap3A_543 = arith.constant 112 : index
    %swap3A_544 = tpu.vector_load %arg10[%swap3A_542, %swap3A_543] {strides = array<i32>} : memref<8x128xi32, #tpu.memory_space<vmem>>, vector<1x16xi32>,
    %swap3A_545 = vector.shape_cast %swap3A_544 : vector<1x16xi32> to vector<16xi32>
    %swap3A_546 = vector.shape_cast %add3A_540 : vector<16xi32> to vector<1x16xi32>
    tpu.vector_store %arg10[%swap3A_542, %swap3A_543], %swap3A_546 {strides = array<i32>} : memref<8x128xi32, #tpu.memory_space<vmem>>, vector<1x16xi32>,
    %add3A_547 = arith.constant 200000 : i32
    %add3A_548 = vector.broadcast %add3A_547 : i32 to vector<16xi32>
    %add3A_549 = arith.addi %get3A_528, %add3A_548 : vector<16xi32>
    %swap3A_550 = arith.constant 2 : i32
    %swap3A_551 = arith.index_cast %swap3A_550 : i32 to index
    %swap3A_552 = arith.constant 112 : index
    %swap3A_553 = tpu.vector_load %arg10[%swap3A_551, %swap3A_552] {strides = array<i32>} : memref<8x128xi32, #tpu.memory_space<vmem>>, vector<1x16xi32>,
    %swap3A_554 = vector.shape_cast %swap3A_553 : vector<1x16xi32> to vector<16xi32>
    %swap3A_555 = vector.shape_cast %add3A_549 : vector<16xi32> to vector<1x16xi32>
    tpu.vector_store %arg10[%swap3A_551, %swap3A_552], %swap3A_555 {strides = array<i32>} : memref<8x128xi32, #tpu.memory_space<vmem>>, vector<1x16xi32>,
    %add3A_556 = arith.constant 300000 : i32
    %add3A_557 = vector.broadcast %add3A_556 : i32 to vector<16xi32>
    %add3A_558 = arith.addi %get3A_528, %add3A_557 : vector<16xi32>
    %swap3A_559 = arith.constant 3 : i32
    %swap3A_560 = arith.index_cast %swap3A_559 : i32 to index
    %swap3A_561 = arith.constant 112 : index
    %swap3A_562 = tpu.vector_load %arg10[%swap3A_560, %swap3A_561] {strides = array<i32>} : memref<8x128xi32, #tpu.memory_space<vmem>>, vector<1x16xi32>,
    %swap3A_563 = vector.shape_cast %swap3A_562 : vector<1x16xi32> to vector<16xi32>
    %swap3A_564 = vector.shape_cast %add3A_558 : vector<16xi32> to vector<1x16xi32>
    tpu.vector_store %arg10[%swap3A_560, %swap3A_561], %swap3A_564 {strides = array<i32>} : memref<8x128xi32, #tpu.memory_space<vmem>>, vector<1x16xi32>,
    %add3A_565 = arith.constant 400000 : i32
    %add3A_566 = vector.broadcast %add3A_565 : i32 to vector<16xi32>
    %add3A_567 = arith.addi %get3A_528, %add3A_566 : vector<16xi32>
    %swap3A_568 = arith.constant 4 : i32
    %swap3A_569 = arith.index_cast %swap3A_568 : i32 to index
    %swap3A_570 = arith.constant 112 : index
    %swap3A_571 = tpu.vector_load %arg10[%swap3A_569, %swap3A_570] {strides = array<i32>} : memref<8x128xi32, #tpu.memory_space<vmem>>, vector<1x16xi32>,
    %swap3A_572 = vector.shape_cast %swap3A_571 : vector<1x16xi32> to vector<16xi32>
    %swap3A_573 = vector.shape_cast %add3A_567 : vector<16xi32> to vector<1x16xi32>
    tpu.vector_store %arg10[%swap3A_569, %swap3A_570], %swap3A_573 {strides = array<i32>} : memref<8x128xi32, #tpu.memory_space<vmem>>, vector<1x16xi32>,
    %add3A_574 = arith.constant 500000 : i32
    %add3A_575 = vector.broadcast %add3A_574 : i32 to vector<16xi32>
    %add3A_576 = arith.addi %get3A_528, %add3A_575 : vector<16xi32>
    %swap3A_577 = arith.constant 5 : i32
    %swap3A_578 = arith.index_cast %swap3A_577 : i32 to index
    %swap3A_579 = arith.constant 112 : index
    %swap3A_580 = tpu.vector_load %arg10[%swap3A_578, %swap3A_579] {strides = array<i32>} : memref<8x128xi32, #tpu.memory_space<vmem>>, vector<1x16xi32>,
    %swap3A_581 = vector.shape_cast %swap3A_580 : vector<1x16xi32> to vector<16xi32>
    %swap3A_582 = vector.shape_cast %add3A_576 : vector<16xi32> to vector<1x16xi32>
    tpu.vector_store %arg10[%swap3A_578, %swap3A_579], %swap3A_582 {strides = array<i32>} : memref<8x128xi32, #tpu.memory_space<vmem>>, vector<1x16xi32>,
    %add3A_583 = arith.constant 600000 : i32
    %add3A_584 = vector.broadcast %add3A_583 : i32 to vector<16xi32>
    %add3A_585 = arith.addi %get3A_528, %add3A_584 : vector<16xi32>
    %swap3A_586 = arith.constant 6 : i32
    %swap3A_587 = arith.index_cast %swap3A_586 : i32 to index
    %swap3A_588 = arith.constant 112 : index
    %swap3A_589 = tpu.vector_load %arg10[%swap3A_587, %swap3A_588] {strides = array<i32>} : memref<8x128xi32, #tpu.memory_space<vmem>>, vector<1x16xi32>,
    %swap3A_590 = vector.shape_cast %swap3A_589 : vector<1x16xi32> to vector<16xi32>
    %swap3A_591 = vector.shape_cast %add3A_585 : vector<16xi32> to vector<1x16xi32>
    tpu.vector_store %arg10[%swap3A_587, %swap3A_588], %swap3A_591 {strides = array<i32>} : memref<8x128xi32, #tpu.memory_space<vmem>>, vector<1x16xi32>,
    %add3A_592 = arith.constant 700000 : i32
    %add3A_593 = vector.broadcast %add3A_592 : i32 to vector<16xi32>
    %add3A_594 = arith.addi %get3A_528, %add3A_593 : vector<16xi32>
    %swap3A_595 = arith.constant 7 : i32
    %swap3A_596 = arith.index_cast %swap3A_595 : i32 to index
    %swap3A_597 = arith.constant 112 : index
    %swap3A_598 = tpu.vector_load %arg10[%swap3A_596, %swap3A_597] {strides = array<i32>} : memref<8x128xi32, #tpu.memory_space<vmem>>, vector<1x16xi32>,
    %swap3A_599 = vector.shape_cast %swap3A_598 : vector<1x16xi32> to vector<16xi32>
    %swap3A_600 = vector.shape_cast %add3A_594 : vector<16xi32> to vector<1x16xi32>
    tpu.vector_store %arg10[%swap3A_596, %swap3A_597], %swap3A_600 {strides = array<i32>} : memref<8x128xi32, #tpu.memory_space<vmem>>, vector<1x16xi32>,
    %dma_start3A = arith.constant 0 : i32
    %dma_start3A_601 = arith.constant 0 : i32
    %dma_start3A_602 = arith.constant 0 : i32
    %dma_start3A_603 = tpu.memref_slice %arg11[%dma_start3A_601, %dma_start3A_602] : memref<8x128xi32, #tpu.memory_space<vmem>> -> memref<1x128xi32, #tpu.memory_space<vmem>>
    %dma_start3A_604 = tpu.memref_squeeze %dma_start3A_603 : memref<1x128xi32, #tpu.memory_space<vmem>> -> memref<128xi32, #tpu.memory_space<vmem>>
    %dma_start3A_605 = arith.constant 0 : i32
    %dma_start3A_606 = tpu.memref_slice %arg10[%dma_start3A, %dma_start3A_605] : memref<8x128xi32, #tpu.memory_space<vmem>> -> memref<1x128xi32, #tpu.memory_space<vmem>>
    %dma_start3A_607 = tpu.memref_squeeze %dma_start3A_606 : memref<1x128xi32, #tpu.memory_space<vmem>> -> memref<128xi32, #tpu.memory_space<vmem>>
    %dma_start3A_608 = arith.constant 0 : i32
    %dma_start3A_609 = tpu.memref_slice %arg3[%dma_start3A_608] : memref<800000xi32, #tpu.memory_space<hbm>> -> memref<800000xi32, #tpu.memory_space<hbm>>
    tpu.enqueue_indirect_dma source(%dma_start3A_609 : memref<800000xi32, #tpu.memory_space<hbm>>) target(%dma_start3A_604 : memref<128xi32, #tpu.memory_space<vmem>>) offsets(%dma_start3A_607 : memref<128xi32, #tpu.memory_space<vmem>>) semaphore(%arg16 : memref<!tpu.dma_semaphore, #tpu.memory_space<semaphore_mem>>)
    %dma_start3A_610 = arith.constant 0 : i32
    %dma_start3A_611 = arith.constant 0 : i32
    %dma_start3A_612 = arith.constant 0 : i32
    %dma_start3A_613 = tpu.memref_slice %arg12[%dma_start3A_611, %dma_start3A_612] : memref<8x128xi32, #tpu.memory_space<vmem>> -> memref<1x128xi32, #tpu.memory_space<vmem>>
    %dma_start3A_614 = tpu.memref_squeeze %dma_start3A_613 : memref<1x128xi32, #tpu.memory_space<vmem>> -> memref<128xi32, #tpu.memory_space<vmem>>
    %dma_start3A_615 = arith.constant 0 : i32
    %dma_start3A_616 = tpu.memref_slice %arg10[%dma_start3A_610, %dma_start3A_615] : memref<8x128xi32, #tpu.memory_space<vmem>> -> memref<1x128xi32, #tpu.memory_space<vmem>>
    %dma_start3A_617 = tpu.memref_squeeze %dma_start3A_616 : memref<1x128xi32, #tpu.memory_space<vmem>> -> memref<128xi32, #tpu.memory_space<vmem>>
    %dma_start3A_618 = arith.constant 0 : i32
    %dma_start3A_619 = tpu.memref_slice %arg4[%dma_start3A_618] : memref<800000xi32, #tpu.memory_space<hbm>> -> memref<800000xi32, #tpu.memory_space<hbm>>
    tpu.enqueue_indirect_dma source(%dma_start3A_619 : memref<800000xi32, #tpu.memory_space<hbm>>) target(%dma_start3A_614 : memref<128xi32, #tpu.memory_space<vmem>>) offsets(%dma_start3A_617 : memref<128xi32, #tpu.memory_space<vmem>>) semaphore(%arg17 : memref<!tpu.dma_semaphore, #tpu.memory_space<semaphore_mem>>)
    %dma_start3A_620 = arith.constant 1 : i32
    %dma_start3A_621 = arith.constant 1 : i32
    %dma_start3A_622 = arith.constant 0 : i32
    %dma_start3A_623 = tpu.memref_slice %arg11[%dma_start3A_621, %dma_start3A_622] : memref<8x128xi32, #tpu.memory_space<vmem>> -> memref<1x128xi32, #tpu.memory_space<vmem>>
    %dma_start3A_624 = tpu.memref_squeeze %dma_start3A_623 : memref<1x128xi32, #tpu.memory_space<vmem>> -> memref<128xi32, #tpu.memory_space<vmem>>
    %dma_start3A_625 = arith.constant 0 : i32
    %dma_start3A_626 = tpu.memref_slice %arg10[%dma_start3A_620, %dma_start3A_625] : memref<8x128xi32, #tpu.memory_space<vmem>> -> memref<1x128xi32, #tpu.memory_space<vmem>>
    %dma_start3A_627 = tpu.memref_squeeze %dma_start3A_626 : memref<1x128xi32, #tpu.memory_space<vmem>> -> memref<128xi32, #tpu.memory_space<vmem>>
    %dma_start3A_628 = arith.constant 0 : i32
    %dma_start3A_629 = tpu.memref_slice %arg3[%dma_start3A_628] : memref<800000xi32, #tpu.memory_space<hbm>> -> memref<800000xi32, #tpu.memory_space<hbm>>
    tpu.enqueue_indirect_dma source(%dma_start3A_629 : memref<800000xi32, #tpu.memory_space<hbm>>) target(%dma_start3A_624 : memref<128xi32, #tpu.memory_space<vmem>>) offsets(%dma_start3A_627 : memref<128xi32, #tpu.memory_space<vmem>>) semaphore(%arg16 : memref<!tpu.dma_semaphore, #tpu.memory_space<semaphore_mem>>)
    %dma_start3A_630 = arith.constant 1 : i32
    %dma_start3A_631 = arith.constant 1 : i32
    %dma_start3A_632 = arith.constant 0 : i32
    %dma_start3A_633 = tpu.memref_slice %arg12[%dma_start3A_631, %dma_start3A_632] : memref<8x128xi32, #tpu.memory_space<vmem>> -> memref<1x128xi32, #tpu.memory_space<vmem>>
    %dma_start3A_634 = tpu.memref_squeeze %dma_start3A_633 : memref<1x128xi32, #tpu.memory_space<vmem>> -> memref<128xi32, #tpu.memory_space<vmem>>
    %dma_start3A_635 = arith.constant 0 : i32
    %dma_start3A_636 = tpu.memref_slice %arg10[%dma_start3A_630, %dma_start3A_635] : memref<8x128xi32, #tpu.memory_space<vmem>> -> memref<1x128xi32, #tpu.memory_space<vmem>>
    %dma_start3A_637 = tpu.memref_squeeze %dma_start3A_636 : memref<1x128xi32, #tpu.memory_space<vmem>> -> memref<128xi32, #tpu.memory_space<vmem>>
    %dma_start3A_638 = arith.constant 0 : i32
    %dma_start3A_639 = tpu.memref_slice %arg4[%dma_start3A_638] : memref<800000xi32, #tpu.memory_space<hbm>> -> memref<800000xi32, #tpu.memory_space<hbm>>
    tpu.enqueue_indirect_dma source(%dma_start3A_639 : memref<800000xi32, #tpu.memory_space<hbm>>) target(%dma_start3A_634 : memref<128xi32, #tpu.memory_space<vmem>>) offsets(%dma_start3A_637 : memref<128xi32, #tpu.memory_space<vmem>>) semaphore(%arg17 : memref<!tpu.dma_semaphore, #tpu.memory_space<semaphore_mem>>)
    %dma_start3A_640 = arith.constant 2 : i32
    %dma_start3A_641 = arith.constant 2 : i32
    %dma_start3A_642 = arith.constant 0 : i32
    %dma_start3A_643 = tpu.memref_slice %arg11[%dma_start3A_641, %dma_start3A_642] : memref<8x128xi32, #tpu.memory_space<vmem>> -> memref<1x128xi32, #tpu.memory_space<vmem>>
    %dma_start3A_644 = tpu.memref_squeeze %dma_start3A_643 : memref<1x128xi32, #tpu.memory_space<vmem>> -> memref<128xi32, #tpu.memory_space<vmem>>
    %dma_start3A_645 = arith.constant 0 : i32
    %dma_start3A_646 = tpu.memref_slice %arg10[%dma_start3A_640, %dma_start3A_645] : memref<8x128xi32, #tpu.memory_space<vmem>> -> memref<1x128xi32, #tpu.memory_space<vmem>>
    %dma_start3A_647 = tpu.memref_squeeze %dma_start3A_646 : memref<1x128xi32, #tpu.memory_space<vmem>> -> memref<128xi32, #tpu.memory_space<vmem>>
    %dma_start3A_648 = arith.constant 0 : i32
    %dma_start3A_649 = tpu.memref_slice %arg3[%dma_start3A_648] : memref<800000xi32, #tpu.memory_space<hbm>> -> memref<800000xi32, #tpu.memory_space<hbm>>
    tpu.enqueue_indirect_dma source(%dma_start3A_649 : memref<800000xi32, #tpu.memory_space<hbm>>) target(%dma_start3A_644 : memref<128xi32, #tpu.memory_space<vmem>>) offsets(%dma_start3A_647 : memref<128xi32, #tpu.memory_space<vmem>>) semaphore(%arg16 : memref<!tpu.dma_semaphore, #tpu.memory_space<semaphore_mem>>)
    %dma_start3A_650 = arith.constant 2 : i32
    %dma_start3A_651 = arith.constant 2 : i32
    %dma_start3A_652 = arith.constant 0 : i32
    %dma_start3A_653 = tpu.memref_slice %arg12[%dma_start3A_651, %dma_start3A_652] : memref<8x128xi32, #tpu.memory_space<vmem>> -> memref<1x128xi32, #tpu.memory_space<vmem>>
    %dma_start3A_654 = tpu.memref_squeeze %dma_start3A_653 : memref<1x128xi32, #tpu.memory_space<vmem>> -> memref<128xi32, #tpu.memory_space<vmem>>
    %dma_start3A_655 = arith.constant 0 : i32
    %dma_start3A_656 = tpu.memref_slice %arg10[%dma_start3A_650, %dma_start3A_655] : memref<8x128xi32, #tpu.memory_space<vmem>> -> memref<1x128xi32, #tpu.memory_space<vmem>>
    %dma_start3A_657 = tpu.memref_squeeze %dma_start3A_656 : memref<1x128xi32, #tpu.memory_space<vmem>> -> memref<128xi32, #tpu.memory_space<vmem>>
    %dma_start3A_658 = arith.constant 0 : i32
    %dma_start3A_659 = tpu.memref_slice %arg4[%dma_start3A_658] : memref<800000xi32, #tpu.memory_space<hbm>> -> memref<800000xi32, #tpu.memory_space<hbm>>
    tpu.enqueue_indirect_dma source(%dma_start3A_659 : memref<800000xi32, #tpu.memory_space<hbm>>) target(%dma_start3A_654 : memref<128xi32, #tpu.memory_space<vmem>>) offsets(%dma_start3A_657 : memref<128xi32, #tpu.memory_space<vmem>>) semaphore(%arg17 : memref<!tpu.dma_semaphore, #tpu.memory_space<semaphore_mem>>)
    %dma_start3A_660 = arith.constant 3 : i32
    %dma_start3A_661 = arith.constant 3 : i32
    %dma_start3A_662 = arith.constant 0 : i32
    %dma_start3A_663 = tpu.memref_slice %arg11[%dma_start3A_661, %dma_start3A_662] : memref<8x128xi32, #tpu.memory_space<vmem>> -> memref<1x128xi32, #tpu.memory_space<vmem>>
    %dma_start3A_664 = tpu.memref_squeeze %dma_start3A_663 : memref<1x128xi32, #tpu.memory_space<vmem>> -> memref<128xi32, #tpu.memory_space<vmem>>
    %dma_start3A_665 = arith.constant 0 : i32
    %dma_start3A_666 = tpu.memref_slice %arg10[%dma_start3A_660, %dma_start3A_665] : memref<8x128xi32, #tpu.memory_space<vmem>> -> memref<1x128xi32, #tpu.memory_space<vmem>>
    %dma_start3A_667 = tpu.memref_squeeze %dma_start3A_666 : memref<1x128xi32, #tpu.memory_space<vmem>> -> memref<128xi32, #tpu.memory_space<vmem>>
    %dma_start3A_668 = arith.constant 0 : i32
    %dma_start3A_669 = tpu.memref_slice %arg3[%dma_start3A_668] : memref<800000xi32, #tpu.memory_space<hbm>> -> memref<800000xi32, #tpu.memory_space<hbm>>
    tpu.enqueue_indirect_dma source(%dma_start3A_669 : memref<800000xi32, #tpu.memory_space<hbm>>) target(%dma_start3A_664 : memref<128xi32, #tpu.memory_space<vmem>>) offsets(%dma_start3A_667 : memref<128xi32, #tpu.memory_space<vmem>>) semaphore(%arg16 : memref<!tpu.dma_semaphore, #tpu.memory_space<semaphore_mem>>)
    %dma_start3A_670 = arith.constant 3 : i32
    %dma_start3A_671 = arith.constant 3 : i32
    %dma_start3A_672 = arith.constant 0 : i32
    %dma_start3A_673 = tpu.memref_slice %arg12[%dma_start3A_671, %dma_start3A_672] : memref<8x128xi32, #tpu.memory_space<vmem>> -> memref<1x128xi32, #tpu.memory_space<vmem>>
    %dma_start3A_674 = tpu.memref_squeeze %dma_start3A_673 : memref<1x128xi32, #tpu.memory_space<vmem>> -> memref<128xi32, #tpu.memory_space<vmem>>
    %dma_start3A_675 = arith.constant 0 : i32
    %dma_start3A_676 = tpu.memref_slice %arg10[%dma_start3A_670, %dma_start3A_675] : memref<8x128xi32, #tpu.memory_space<vmem>> -> memref<1x128xi32, #tpu.memory_space<vmem>>
    %dma_start3A_677 = tpu.memref_squeeze %dma_start3A_676 : memref<1x128xi32, #tpu.memory_space<vmem>> -> memref<128xi32, #tpu.memory_space<vmem>>
    %dma_start3A_678 = arith.constant 0 : i32
    %dma_start3A_679 = tpu.memref_slice %arg4[%dma_start3A_678] : memref<800000xi32, #tpu.memory_space<hbm>> -> memref<800000xi32, #tpu.memory_space<hbm>>
    tpu.enqueue_indirect_dma source(%dma_start3A_679 : memref<800000xi32, #tpu.memory_space<hbm>>) target(%dma_start3A_674 : memref<128xi32, #tpu.memory_space<vmem>>) offsets(%dma_start3A_677 : memref<128xi32, #tpu.memory_space<vmem>>) semaphore(%arg17 : memref<!tpu.dma_semaphore, #tpu.memory_space<semaphore_mem>>)
    %dma_start3A_680 = arith.constant 4 : i32
    %dma_start3A_681 = arith.constant 4 : i32
    %dma_start3A_682 = arith.constant 0 : i32
    %dma_start3A_683 = tpu.memref_slice %arg11[%dma_start3A_681, %dma_start3A_682] : memref<8x128xi32, #tpu.memory_space<vmem>> -> memref<1x128xi32, #tpu.memory_space<vmem>>
    %dma_start3A_684 = tpu.memref_squeeze %dma_start3A_683 : memref<1x128xi32, #tpu.memory_space<vmem>> -> memref<128xi32, #tpu.memory_space<vmem>>
    %dma_start3A_685 = arith.constant 0 : i32
    %dma_start3A_686 = tpu.memref_slice %arg10[%dma_start3A_680, %dma_start3A_685] : memref<8x128xi32, #tpu.memory_space<vmem>> -> memref<1x128xi32, #tpu.memory_space<vmem>>
    %dma_start3A_687 = tpu.memref_squeeze %dma_start3A_686 : memref<1x128xi32, #tpu.memory_space<vmem>> -> memref<128xi32, #tpu.memory_space<vmem>>
    %dma_start3A_688 = arith.constant 0 : i32
    %dma_start3A_689 = tpu.memref_slice %arg3[%dma_start3A_688] : memref<800000xi32, #tpu.memory_space<hbm>> -> memref<800000xi32, #tpu.memory_space<hbm>>
    tpu.enqueue_indirect_dma source(%dma_start3A_689 : memref<800000xi32, #tpu.memory_space<hbm>>) target(%dma_start3A_684 : memref<128xi32, #tpu.memory_space<vmem>>) offsets(%dma_start3A_687 : memref<128xi32, #tpu.memory_space<vmem>>) semaphore(%arg16 : memref<!tpu.dma_semaphore, #tpu.memory_space<semaphore_mem>>)
    %dma_start3A_690 = arith.constant 4 : i32
    %dma_start3A_691 = arith.constant 4 : i32
    %dma_start3A_692 = arith.constant 0 : i32
    %dma_start3A_693 = tpu.memref_slice %arg12[%dma_start3A_691, %dma_start3A_692] : memref<8x128xi32, #tpu.memory_space<vmem>> -> memref<1x128xi32, #tpu.memory_space<vmem>>
    %dma_start3A_694 = tpu.memref_squeeze %dma_start3A_693 : memref<1x128xi32, #tpu.memory_space<vmem>> -> memref<128xi32, #tpu.memory_space<vmem>>
    %dma_start3A_695 = arith.constant 0 : i32
    %dma_start3A_696 = tpu.memref_slice %arg10[%dma_start3A_690, %dma_start3A_695] : memref<8x128xi32, #tpu.memory_space<vmem>> -> memref<1x128xi32, #tpu.memory_space<vmem>>
    %dma_start3A_697 = tpu.memref_squeeze %dma_start3A_696 : memref<1x128xi32, #tpu.memory_space<vmem>> -> memref<128xi32, #tpu.memory_space<vmem>>
    %dma_start3A_698 = arith.constant 0 : i32
    %dma_start3A_699 = tpu.memref_slice %arg4[%dma_start3A_698] : memref<800000xi32, #tpu.memory_space<hbm>> -> memref<800000xi32, #tpu.memory_space<hbm>>
    tpu.enqueue_indirect_dma source(%dma_start3A_699 : memref<800000xi32, #tpu.memory_space<hbm>>) target(%dma_start3A_694 : memref<128xi32, #tpu.memory_space<vmem>>) offsets(%dma_start3A_697 : memref<128xi32, #tpu.memory_space<vmem>>) semaphore(%arg17 : memref<!tpu.dma_semaphore, #tpu.memory_space<semaphore_mem>>)
    %dma_start3A_700 = arith.constant 5 : i32
    %dma_start3A_701 = arith.constant 5 : i32
    %dma_start3A_702 = arith.constant 0 : i32
    %dma_start3A_703 = tpu.memref_slice %arg11[%dma_start3A_701, %dma_start3A_702] : memref<8x128xi32, #tpu.memory_space<vmem>> -> memref<1x128xi32, #tpu.memory_space<vmem>>
    %dma_start3A_704 = tpu.memref_squeeze %dma_start3A_703 : memref<1x128xi32, #tpu.memory_space<vmem>> -> memref<128xi32, #tpu.memory_space<vmem>>
    %dma_start3A_705 = arith.constant 0 : i32
    %dma_start3A_706 = tpu.memref_slice %arg10[%dma_start3A_700, %dma_start3A_705] : memref<8x128xi32, #tpu.memory_space<vmem>> -> memref<1x128xi32, #tpu.memory_space<vmem>>
    %dma_start3A_707 = tpu.memref_squeeze %dma_start3A_706 : memref<1x128xi32, #tpu.memory_space<vmem>> -> memref<128xi32, #tpu.memory_space<vmem>>
    %dma_start3A_708 = arith.constant 0 : i32
    %dma_start3A_709 = tpu.memref_slice %arg3[%dma_start3A_708] : memref<800000xi32, #tpu.memory_space<hbm>> -> memref<800000xi32, #tpu.memory_space<hbm>>
    tpu.enqueue_indirect_dma source(%dma_start3A_709 : memref<800000xi32, #tpu.memory_space<hbm>>) target(%dma_start3A_704 : memref<128xi32, #tpu.memory_space<vmem>>) offsets(%dma_start3A_707 : memref<128xi32, #tpu.memory_space<vmem>>) semaphore(%arg16 : memref<!tpu.dma_semaphore, #tpu.memory_space<semaphore_mem>>)
    %dma_start3A_710 = arith.constant 5 : i32
    %dma_start3A_711 = arith.constant 5 : i32
    %dma_start3A_712 = arith.constant 0 : i32
    %dma_start3A_713 = tpu.memref_slice %arg12[%dma_start3A_711, %dma_start3A_712] : memref<8x128xi32, #tpu.memory_space<vmem>> -> memref<1x128xi32, #tpu.memory_space<vmem>>
    %dma_start3A_714 = tpu.memref_squeeze %dma_start3A_713 : memref<1x128xi32, #tpu.memory_space<vmem>> -> memref<128xi32, #tpu.memory_space<vmem>>
    %dma_start3A_715 = arith.constant 0 : i32
    %dma_start3A_716 = tpu.memref_slice %arg10[%dma_start3A_710, %dma_start3A_715] : memref<8x128xi32, #tpu.memory_space<vmem>> -> memref<1x128xi32, #tpu.memory_space<vmem>>
    %dma_start3A_717 = tpu.memref_squeeze %dma_start3A_716 : memref<1x128xi32, #tpu.memory_space<vmem>> -> memref<128xi32, #tpu.memory_space<vmem>>
    %dma_start3A_718 = arith.constant 0 : i32
    %dma_start3A_719 = tpu.memref_slice %arg4[%dma_start3A_718] : memref<800000xi32, #tpu.memory_space<hbm>> -> memref<800000xi32, #tpu.memory_space<hbm>>
    tpu.enqueue_indirect_dma source(%dma_start3A_719 : memref<800000xi32, #tpu.memory_space<hbm>>) target(%dma_start3A_714 : memref<128xi32, #tpu.memory_space<vmem>>) offsets(%dma_start3A_717 : memref<128xi32, #tpu.memory_space<vmem>>) semaphore(%arg17 : memref<!tpu.dma_semaphore, #tpu.memory_space<semaphore_mem>>)
    %dma_start3A_720 = arith.constant 6 : i32
    %dma_start3A_721 = arith.constant 6 : i32
    %dma_start3A_722 = arith.constant 0 : i32
    %dma_start3A_723 = tpu.memref_slice %arg11[%dma_start3A_721, %dma_start3A_722] : memref<8x128xi32, #tpu.memory_space<vmem>> -> memref<1x128xi32, #tpu.memory_space<vmem>>
    %dma_start3A_724 = tpu.memref_squeeze %dma_start3A_723 : memref<1x128xi32, #tpu.memory_space<vmem>> -> memref<128xi32, #tpu.memory_space<vmem>>
    %dma_start3A_725 = arith.constant 0 : i32
    %dma_start3A_726 = tpu.memref_slice %arg10[%dma_start3A_720, %dma_start3A_725] : memref<8x128xi32, #tpu.memory_space<vmem>> -> memref<1x128xi32, #tpu.memory_space<vmem>>
    %dma_start3A_727 = tpu.memref_squeeze %dma_start3A_726 : memref<1x128xi32, #tpu.memory_space<vmem>> -> memref<128xi32, #tpu.memory_space<vmem>>
    %dma_start3A_728 = arith.constant 0 : i32
    %dma_start3A_729 = tpu.memref_slice %arg3[%dma_start3A_728] : memref<800000xi32, #tpu.memory_space<hbm>> -> memref<800000xi32, #tpu.memory_space<hbm>>
    tpu.enqueue_indirect_dma source(%dma_start3A_729 : memref<800000xi32, #tpu.memory_space<hbm>>) target(%dma_start3A_724 : memref<128xi32, #tpu.memory_space<vmem>>) offsets(%dma_start3A_727 : memref<128xi32, #tpu.memory_space<vmem>>) semaphore(%arg16 : memref<!tpu.dma_semaphore, #tpu.memory_space<semaphore_mem>>)
    %dma_start3A_730 = arith.constant 6 : i32
    %dma_start3A_731 = arith.constant 6 : i32
    %dma_start3A_732 = arith.constant 0 : i32
    %dma_start3A_733 = tpu.memref_slice %arg12[%dma_start3A_731, %dma_start3A_732] : memref<8x128xi32, #tpu.memory_space<vmem>> -> memref<1x128xi32, #tpu.memory_space<vmem>>
    %dma_start3A_734 = tpu.memref_squeeze %dma_start3A_733 : memref<1x128xi32, #tpu.memory_space<vmem>> -> memref<128xi32, #tpu.memory_space<vmem>>
    %dma_start3A_735 = arith.constant 0 : i32
    %dma_start3A_736 = tpu.memref_slice %arg10[%dma_start3A_730, %dma_start3A_735] : memref<8x128xi32, #tpu.memory_space<vmem>> -> memref<1x128xi32, #tpu.memory_space<vmem>>
    %dma_start3A_737 = tpu.memref_squeeze %dma_start3A_736 : memref<1x128xi32, #tpu.memory_space<vmem>> -> memref<128xi32, #tpu.memory_space<vmem>>
    %dma_start3A_738 = arith.constant 0 : i32
    %dma_start3A_739 = tpu.memref_slice %arg4[%dma_start3A_738] : memref<800000xi32, #tpu.memory_space<hbm>> -> memref<800000xi32, #tpu.memory_space<hbm>>
    tpu.enqueue_indirect_dma source(%dma_start3A_739 : memref<800000xi32, #tpu.memory_space<hbm>>) target(%dma_start3A_734 : memref<128xi32, #tpu.memory_space<vmem>>) offsets(%dma_start3A_737 : memref<128xi32, #tpu.memory_space<vmem>>) semaphore(%arg17 : memref<!tpu.dma_semaphore, #tpu.memory_space<semaphore_mem>>)
    %dma_start3A_740 = arith.constant 7 : i32
    %dma_start3A_741 = arith.constant 7 : i32
    %dma_start3A_742 = arith.constant 0 : i32
    %dma_start3A_743 = tpu.memref_slice %arg11[%dma_start3A_741, %dma_start3A_742] : memref<8x128xi32, #tpu.memory_space<vmem>> -> memref<1x128xi32, #tpu.memory_space<vmem>>
    %dma_start3A_744 = tpu.memref_squeeze %dma_start3A_743 : memref<1x128xi32, #tpu.memory_space<vmem>> -> memref<128xi32, #tpu.memory_space<vmem>>
    %dma_start3A_745 = arith.constant 0 : i32
    %dma_start3A_746 = tpu.memref_slice %arg10[%dma_start3A_740, %dma_start3A_745] : memref<8x128xi32, #tpu.memory_space<vmem>> -> memref<1x128xi32, #tpu.memory_space<vmem>>
    %dma_start3A_747 = tpu.memref_squeeze %dma_start3A_746 : memref<1x128xi32, #tpu.memory_space<vmem>> -> memref<128xi32, #tpu.memory_space<vmem>>
    %dma_start3A_748 = arith.constant 0 : i32
    %dma_start3A_749 = tpu.memref_slice %arg3[%dma_start3A_748] : memref<800000xi32, #tpu.memory_space<hbm>> -> memref<800000xi32, #tpu.memory_space<hbm>>
    tpu.enqueue_indirect_dma source(%dma_start3A_749 : memref<800000xi32, #tpu.memory_space<hbm>>) target(%dma_start3A_744 : memref<128xi32, #tpu.memory_space<vmem>>) offsets(%dma_start3A_747 : memref<128xi32, #tpu.memory_space<vmem>>) semaphore(%arg16 : memref<!tpu.dma_semaphore, #tpu.memory_space<semaphore_mem>>)
    %dma_start3A_750 = arith.constant 7 : i32
    %dma_start3A_751 = arith.constant 7 : i32
    %dma_start3A_752 = arith.constant 0 : i32
    %dma_start3A_753 = tpu.memref_slice %arg12[%dma_start3A_751, %dma_start3A_752] : memref<8x128xi32, #tpu.memory_space<vmem>> -> memref<1x128xi32, #tpu.memory_space<vmem>>
    %dma_start3A_754 = tpu.memref_squeeze %dma_start3A_753 : memref<1x128xi32, #tpu.memory_space<vmem>> -> memref<128xi32, #tpu.memory_space<vmem>>
    %dma_start3A_755 = arith.constant 0 : i32
    %dma_start3A_756 = tpu.memref_slice %arg10[%dma_start3A_750, %dma_start3A_755] : memref<8x128xi32, #tpu.memory_space<vmem>> -> memref<1x128xi32, #tpu.memory_space<vmem>>
    %dma_start3A_757 = tpu.memref_squeeze %dma_start3A_756 : memref<1x128xi32, #tpu.memory_space<vmem>> -> memref<128xi32, #tpu.memory_space<vmem>>
    %dma_start3A_758 = arith.constant 0 : i32
    %dma_start3A_759 = tpu.memref_slice %arg4[%dma_start3A_758] : memref<800000xi32, #tpu.memory_space<hbm>> -> memref<800000xi32, #tpu.memory_space<hbm>>
    tpu.enqueue_indirect_dma source(%dma_start3A_759 : memref<800000xi32, #tpu.memory_space<hbm>>) target(%dma_start3A_754 : memref<128xi32, #tpu.memory_space<vmem>>) offsets(%dma_start3A_757 : memref<128xi32, #tpu.memory_space<vmem>>) semaphore(%arg17 : memref<!tpu.dma_semaphore, #tpu.memory_space<semaphore_mem>>)
    %dma_wait3A = arith.constant 0 : i32
    %dma_wait3A_760 = arith.constant 0 : i32
    %dma_wait3A_761 = arith.constant 0 : i32
    %dma_wait3A_762 = tpu.memref_slice %arg11[%dma_wait3A_760, %dma_wait3A_761] : memref<8x128xi32, #tpu.memory_space<vmem>> -> memref<1x128xi32, #tpu.memory_space<vmem>>
    %dma_wait3A_763 = tpu.memref_squeeze %dma_wait3A_762 : memref<1x128xi32, #tpu.memory_space<vmem>> -> memref<128xi32, #tpu.memory_space<vmem>>
    %dma_wait3A_764 = arith.constant 0 : i32
    %dma_wait3A_765 = tpu.memref_slice %arg10[%dma_wait3A, %dma_wait3A_764] : memref<8x128xi32, #tpu.memory_space<vmem>> -> memref<1x128xi32, #tpu.memory_space<vmem>>
    %dma_wait3A_766 = tpu.memref_squeeze %dma_wait3A_765 : memref<1x128xi32, #tpu.memory_space<vmem>> -> memref<128xi32, #tpu.memory_space<vmem>>
    %dma_wait3A_767 = arith.constant 0 : i32
    %dma_wait3A_768 = tpu.memref_slice %arg3[%dma_wait3A_767] : memref<800000xi32, #tpu.memory_space<hbm>> -> memref<800000xi32, #tpu.memory_space<hbm>>
    tpu.wait_indirect_dma semaphore(%arg16 : memref<!tpu.dma_semaphore, #tpu.memory_space<semaphore_mem>>) src(%dma_wait3A_768 : memref<800000xi32, #tpu.memory_space<hbm>>) dst(%dma_wait3A_763 : memref<128xi32, #tpu.memory_space<vmem>>)
    %dma_wait3A_769 = arith.constant 0 : i32
    %dma_wait3A_770 = arith.constant 0 : i32
    %dma_wait3A_771 = arith.constant 0 : i32
    %dma_wait3A_772 = tpu.memref_slice %arg12[%dma_wait3A_770, %dma_wait3A_771] : memref<8x128xi32, #tpu.memory_space<vmem>> -> memref<1x128xi32, #tpu.memory_space<vmem>>
    %dma_wait3A_773 = tpu.memref_squeeze %dma_wait3A_772 : memref<1x128xi32, #tpu.memory_space<vmem>> -> memref<128xi32, #tpu.memory_space<vmem>>
    %dma_wait3A_774 = arith.constant 0 : i32
    %dma_wait3A_775 = tpu.memref_slice %arg10[%dma_wait3A_769, %dma_wait3A_774] : memref<8x128xi32, #tpu.memory_space<vmem>> -> memref<1x128xi32, #tpu.memory_space<vmem>>
    %dma_wait3A_776 = tpu.memref_squeeze %dma_wait3A_775 : memref<1x128xi32, #tpu.memory_space<vmem>> -> memref<128xi32, #tpu.memory_space<vmem>>
    %dma_wait3A_777 = arith.constant 0 : i32
    %dma_wait3A_778 = tpu.memref_slice %arg4[%dma_wait3A_777] : memref<800000xi32, #tpu.memory_space<hbm>> -> memref<800000xi32, #tpu.memory_space<hbm>>
    tpu.wait_indirect_dma semaphore(%arg17 : memref<!tpu.dma_semaphore, #tpu.memory_space<semaphore_mem>>) src(%dma_wait3A_778 : memref<800000xi32, #tpu.memory_space<hbm>>) dst(%dma_wait3A_773 : memref<128xi32, #tpu.memory_space<vmem>>)
    %dma_wait3A_779 = arith.constant 1 : i32
    %dma_wait3A_780 = arith.constant 1 : i32
    %dma_wait3A_781 = arith.constant 0 : i32
    %dma_wait3A_782 = tpu.memref_slice %arg11[%dma_wait3A_780, %dma_wait3A_781] : memref<8x128xi32, #tpu.memory_space<vmem>> -> memref<1x128xi32, #tpu.memory_space<vmem>>
    %dma_wait3A_783 = tpu.memref_squeeze %dma_wait3A_782 : memref<1x128xi32, #tpu.memory_space<vmem>> -> memref<128xi32, #tpu.memory_space<vmem>>
    %dma_wait3A_784 = arith.constant 0 : i32
    %dma_wait3A_785 = tpu.memref_slice %arg10[%dma_wait3A_779, %dma_wait3A_784] : memref<8x128xi32, #tpu.memory_space<vmem>> -> memref<1x128xi32, #tpu.memory_space<vmem>>
    %dma_wait3A_786 = tpu.memref_squeeze %dma_wait3A_785 : memref<1x128xi32, #tpu.memory_space<vmem>> -> memref<128xi32, #tpu.memory_space<vmem>>
    %dma_wait3A_787 = arith.constant 0 : i32
    %dma_wait3A_788 = tpu.memref_slice %arg3[%dma_wait3A_787] : memref<800000xi32, #tpu.memory_space<hbm>> -> memref<800000xi32, #tpu.memory_space<hbm>>
    tpu.wait_indirect_dma semaphore(%arg16 : memref<!tpu.dma_semaphore, #tpu.memory_space<semaphore_mem>>) src(%dma_wait3A_788 : memref<800000xi32, #tpu.memory_space<hbm>>) dst(%dma_wait3A_783 : memref<128xi32, #tpu.memory_space<vmem>>)
    %dma_wait3A_789 = arith.constant 1 : i32
    %dma_wait3A_790 = arith.constant 1 : i32
    %dma_wait3A_791 = arith.constant 0 : i32
    %dma_wait3A_792 = tpu.memref_slice %arg12[%dma_wait3A_790, %dma_wait3A_791] : memref<8x128xi32, #tpu.memory_space<vmem>> -> memref<1x128xi32, #tpu.memory_space<vmem>>
    %dma_wait3A_793 = tpu.memref_squeeze %dma_wait3A_792 : memref<1x128xi32, #tpu.memory_space<vmem>> -> memref<128xi32, #tpu.memory_space<vmem>>
    %dma_wait3A_794 = arith.constant 0 : i32
    %dma_wait3A_795 = tpu.memref_slice %arg10[%dma_wait3A_789, %dma_wait3A_794] : memref<8x128xi32, #tpu.memory_space<vmem>> -> memref<1x128xi32, #tpu.memory_space<vmem>>
    %dma_wait3A_796 = tpu.memref_squeeze %dma_wait3A_795 : memref<1x128xi32, #tpu.memory_space<vmem>> -> memref<128xi32, #tpu.memory_space<vmem>>
    %dma_wait3A_797 = arith.constant 0 : i32
    %dma_wait3A_798 = tpu.memref_slice %arg4[%dma_wait3A_797] : memref<800000xi32, #tpu.memory_space<hbm>> -> memref<800000xi32, #tpu.memory_space<hbm>>
    tpu.wait_indirect_dma semaphore(%arg17 : memref<!tpu.dma_semaphore, #tpu.memory_space<semaphore_mem>>) src(%dma_wait3A_798 : memref<800000xi32, #tpu.memory_space<hbm>>) dst(%dma_wait3A_793 : memref<128xi32, #tpu.memory_space<vmem>>)
    %dma_wait3A_799 = arith.constant 2 : i32
    %dma_wait3A_800 = arith.constant 2 : i32
    %dma_wait3A_801 = arith.constant 0 : i32
    %dma_wait3A_802 = tpu.memref_slice %arg11[%dma_wait3A_800, %dma_wait3A_801] : memref<8x128xi32, #tpu.memory_space<vmem>> -> memref<1x128xi32, #tpu.memory_space<vmem>>
    %dma_wait3A_803 = tpu.memref_squeeze %dma_wait3A_802 : memref<1x128xi32, #tpu.memory_space<vmem>> -> memref<128xi32, #tpu.memory_space<vmem>>
    %dma_wait3A_804 = arith.constant 0 : i32
    %dma_wait3A_805 = tpu.memref_slice %arg10[%dma_wait3A_799, %dma_wait3A_804] : memref<8x128xi32, #tpu.memory_space<vmem>> -> memref<1x128xi32, #tpu.memory_space<vmem>>
    %dma_wait3A_806 = tpu.memref_squeeze %dma_wait3A_805 : memref<1x128xi32, #tpu.memory_space<vmem>> -> memref<128xi32, #tpu.memory_space<vmem>>
    %dma_wait3A_807 = arith.constant 0 : i32
    %dma_wait3A_808 = tpu.memref_slice %arg3[%dma_wait3A_807] : memref<800000xi32, #tpu.memory_space<hbm>> -> memref<800000xi32, #tpu.memory_space<hbm>>
    tpu.wait_indirect_dma semaphore(%arg16 : memref<!tpu.dma_semaphore, #tpu.memory_space<semaphore_mem>>) src(%dma_wait3A_808 : memref<800000xi32, #tpu.memory_space<hbm>>) dst(%dma_wait3A_803 : memref<128xi32, #tpu.memory_space<vmem>>)
    %dma_wait3A_809 = arith.constant 2 : i32
    %dma_wait3A_810 = arith.constant 2 : i32
    %dma_wait3A_811 = arith.constant 0 : i32
    %dma_wait3A_812 = tpu.memref_slice %arg12[%dma_wait3A_810, %dma_wait3A_811] : memref<8x128xi32, #tpu.memory_space<vmem>> -> memref<1x128xi32, #tpu.memory_space<vmem>>
    %dma_wait3A_813 = tpu.memref_squeeze %dma_wait3A_812 : memref<1x128xi32, #tpu.memory_space<vmem>> -> memref<128xi32, #tpu.memory_space<vmem>>
    %dma_wait3A_814 = arith.constant 0 : i32
    %dma_wait3A_815 = tpu.memref_slice %arg10[%dma_wait3A_809, %dma_wait3A_814] : memref<8x128xi32, #tpu.memory_space<vmem>> -> memref<1x128xi32, #tpu.memory_space<vmem>>
    %dma_wait3A_816 = tpu.memref_squeeze %dma_wait3A_815 : memref<1x128xi32, #tpu.memory_space<vmem>> -> memref<128xi32, #tpu.memory_space<vmem>>
    %dma_wait3A_817 = arith.constant 0 : i32
    %dma_wait3A_818 = tpu.memref_slice %arg4[%dma_wait3A_817] : memref<800000xi32, #tpu.memory_space<hbm>> -> memref<800000xi32, #tpu.memory_space<hbm>>
    tpu.wait_indirect_dma semaphore(%arg17 : memref<!tpu.dma_semaphore, #tpu.memory_space<semaphore_mem>>) src(%dma_wait3A_818 : memref<800000xi32, #tpu.memory_space<hbm>>) dst(%dma_wait3A_813 : memref<128xi32, #tpu.memory_space<vmem>>)
    %dma_wait3A_819 = arith.constant 3 : i32
    %dma_wait3A_820 = arith.constant 3 : i32
    %dma_wait3A_821 = arith.constant 0 : i32
    %dma_wait3A_822 = tpu.memref_slice %arg11[%dma_wait3A_820, %dma_wait3A_821] : memref<8x128xi32, #tpu.memory_space<vmem>> -> memref<1x128xi32, #tpu.memory_space<vmem>>
    %dma_wait3A_823 = tpu.memref_squeeze %dma_wait3A_822 : memref<1x128xi32, #tpu.memory_space<vmem>> -> memref<128xi32, #tpu.memory_space<vmem>>
    %dma_wait3A_824 = arith.constant 0 : i32
    %dma_wait3A_825 = tpu.memref_slice %arg10[%dma_wait3A_819, %dma_wait3A_824] : memref<8x128xi32, #tpu.memory_space<vmem>> -> memref<1x128xi32, #tpu.memory_space<vmem>>
    %dma_wait3A_826 = tpu.memref_squeeze %dma_wait3A_825 : memref<1x128xi32, #tpu.memory_space<vmem>> -> memref<128xi32, #tpu.memory_space<vmem>>
    %dma_wait3A_827 = arith.constant 0 : i32
    %dma_wait3A_828 = tpu.memref_slice %arg3[%dma_wait3A_827] : memref<800000xi32, #tpu.memory_space<hbm>> -> memref<800000xi32, #tpu.memory_space<hbm>>
    tpu.wait_indirect_dma semaphore(%arg16 : memref<!tpu.dma_semaphore, #tpu.memory_space<semaphore_mem>>) src(%dma_wait3A_828 : memref<800000xi32, #tpu.memory_space<hbm>>) dst(%dma_wait3A_823 : memref<128xi32, #tpu.memory_space<vmem>>)
    %dma_wait3A_829 = arith.constant 3 : i32
    %dma_wait3A_830 = arith.constant 3 : i32
    %dma_wait3A_831 = arith.constant 0 : i32
    %dma_wait3A_832 = tpu.memref_slice %arg12[%dma_wait3A_830, %dma_wait3A_831] : memref<8x128xi32, #tpu.memory_space<vmem>> -> memref<1x128xi32, #tpu.memory_space<vmem>>
    %dma_wait3A_833 = tpu.memref_squeeze %dma_wait3A_832 : memref<1x128xi32, #tpu.memory_space<vmem>> -> memref<128xi32, #tpu.memory_space<vmem>>
    %dma_wait3A_834 = arith.constant 0 : i32
    %dma_wait3A_835 = tpu.memref_slice %arg10[%dma_wait3A_829, %dma_wait3A_834] : memref<8x128xi32, #tpu.memory_space<vmem>> -> memref<1x128xi32, #tpu.memory_space<vmem>>
    %dma_wait3A_836 = tpu.memref_squeeze %dma_wait3A_835 : memref<1x128xi32, #tpu.memory_space<vmem>> -> memref<128xi32, #tpu.memory_space<vmem>>
    %dma_wait3A_837 = arith.constant 0 : i32
    %dma_wait3A_838 = tpu.memref_slice %arg4[%dma_wait3A_837] : memref<800000xi32, #tpu.memory_space<hbm>> -> memref<800000xi32, #tpu.memory_space<hbm>>
    tpu.wait_indirect_dma semaphore(%arg17 : memref<!tpu.dma_semaphore, #tpu.memory_space<semaphore_mem>>) src(%dma_wait3A_838 : memref<800000xi32, #tpu.memory_space<hbm>>) dst(%dma_wait3A_833 : memref<128xi32, #tpu.memory_space<vmem>>)
    %dma_wait3A_839 = arith.constant 4 : i32
    %dma_wait3A_840 = arith.constant 4 : i32
    %dma_wait3A_841 = arith.constant 0 : i32
    %dma_wait3A_842 = tpu.memref_slice %arg11[%dma_wait3A_840, %dma_wait3A_841] : memref<8x128xi32, #tpu.memory_space<vmem>> -> memref<1x128xi32, #tpu.memory_space<vmem>>
    %dma_wait3A_843 = tpu.memref_squeeze %dma_wait3A_842 : memref<1x128xi32, #tpu.memory_space<vmem>> -> memref<128xi32, #tpu.memory_space<vmem>>
    %dma_wait3A_844 = arith.constant 0 : i32
    %dma_wait3A_845 = tpu.memref_slice %arg10[%dma_wait3A_839, %dma_wait3A_844] : memref<8x128xi32, #tpu.memory_space<vmem>> -> memref<1x128xi32, #tpu.memory_space<vmem>>
    %dma_wait3A_846 = tpu.memref_squeeze %dma_wait3A_845 : memref<1x128xi32, #tpu.memory_space<vmem>> -> memref<128xi32, #tpu.memory_space<vmem>>
    %dma_wait3A_847 = arith.constant 0 : i32
    %dma_wait3A_848 = tpu.memref_slice %arg3[%dma_wait3A_847] : memref<800000xi32, #tpu.memory_space<hbm>> -> memref<800000xi32, #tpu.memory_space<hbm>>
    tpu.wait_indirect_dma semaphore(%arg16 : memref<!tpu.dma_semaphore, #tpu.memory_space<semaphore_mem>>) src(%dma_wait3A_848 : memref<800000xi32, #tpu.memory_space<hbm>>) dst(%dma_wait3A_843 : memref<128xi32, #tpu.memory_space<vmem>>)
    %dma_wait3A_849 = arith.constant 4 : i32
    %dma_wait3A_850 = arith.constant 4 : i32
    %dma_wait3A_851 = arith.constant 0 : i32
    %dma_wait3A_852 = tpu.memref_slice %arg12[%dma_wait3A_850, %dma_wait3A_851] : memref<8x128xi32, #tpu.memory_space<vmem>> -> memref<1x128xi32, #tpu.memory_space<vmem>>
    %dma_wait3A_853 = tpu.memref_squeeze %dma_wait3A_852 : memref<1x128xi32, #tpu.memory_space<vmem>> -> memref<128xi32, #tpu.memory_space<vmem>>
    %dma_wait3A_854 = arith.constant 0 : i32
    %dma_wait3A_855 = tpu.memref_slice %arg10[%dma_wait3A_849, %dma_wait3A_854] : memref<8x128xi32, #tpu.memory_space<vmem>> -> memref<1x128xi32, #tpu.memory_space<vmem>>
    %dma_wait3A_856 = tpu.memref_squeeze %dma_wait3A_855 : memref<1x128xi32, #tpu.memory_space<vmem>> -> memref<128xi32, #tpu.memory_space<vmem>>
    %dma_wait3A_857 = arith.constant 0 : i32
    %dma_wait3A_858 = tpu.memref_slice %arg4[%dma_wait3A_857] : memref<800000xi32, #tpu.memory_space<hbm>> -> memref<800000xi32, #tpu.memory_space<hbm>>
    tpu.wait_indirect_dma semaphore(%arg17 : memref<!tpu.dma_semaphore, #tpu.memory_space<semaphore_mem>>) src(%dma_wait3A_858 : memref<800000xi32, #tpu.memory_space<hbm>>) dst(%dma_wait3A_853 : memref<128xi32, #tpu.memory_space<vmem>>)
    %dma_wait3A_859 = arith.constant 5 : i32
    %dma_wait3A_860 = arith.constant 5 : i32
    %dma_wait3A_861 = arith.constant 0 : i32
    %dma_wait3A_862 = tpu.memref_slice %arg11[%dma_wait3A_860, %dma_wait3A_861] : memref<8x128xi32, #tpu.memory_space<vmem>> -> memref<1x128xi32, #tpu.memory_space<vmem>>
    %dma_wait3A_863 = tpu.memref_squeeze %dma_wait3A_862 : memref<1x128xi32, #tpu.memory_space<vmem>> -> memref<128xi32, #tpu.memory_space<vmem>>
    %dma_wait3A_864 = arith.constant 0 : i32
    %dma_wait3A_865 = tpu.memref_slice %arg10[%dma_wait3A_859, %dma_wait3A_864] : memref<8x128xi32, #tpu.memory_space<vmem>> -> memref<1x128xi32, #tpu.memory_space<vmem>>
    %dma_wait3A_866 = tpu.memref_squeeze %dma_wait3A_865 : memref<1x128xi32, #tpu.memory_space<vmem>> -> memref<128xi32, #tpu.memory_space<vmem>>
    %dma_wait3A_867 = arith.constant 0 : i32
    %dma_wait3A_868 = tpu.memref_slice %arg3[%dma_wait3A_867] : memref<800000xi32, #tpu.memory_space<hbm>> -> memref<800000xi32, #tpu.memory_space<hbm>>
    tpu.wait_indirect_dma semaphore(%arg16 : memref<!tpu.dma_semaphore, #tpu.memory_space<semaphore_mem>>) src(%dma_wait3A_868 : memref<800000xi32, #tpu.memory_space<hbm>>) dst(%dma_wait3A_863 : memref<128xi32, #tpu.memory_space<vmem>>)
    %dma_wait3A_869 = arith.constant 5 : i32
    %dma_wait3A_870 = arith.constant 5 : i32
    %dma_wait3A_871 = arith.constant 0 : i32
    %dma_wait3A_872 = tpu.memref_slice %arg12[%dma_wait3A_870, %dma_wait3A_871] : memref<8x128xi32, #tpu.memory_space<vmem>> -> memref<1x128xi32, #tpu.memory_space<vmem>>
    %dma_wait3A_873 = tpu.memref_squeeze %dma_wait3A_872 : memref<1x128xi32, #tpu.memory_space<vmem>> -> memref<128xi32, #tpu.memory_space<vmem>>
    %dma_wait3A_874 = arith.constant 0 : i32
    %dma_wait3A_875 = tpu.memref_slice %arg10[%dma_wait3A_869, %dma_wait3A_874] : memref<8x128xi32, #tpu.memory_space<vmem>> -> memref<1x128xi32, #tpu.memory_space<vmem>>
    %dma_wait3A_876 = tpu.memref_squeeze %dma_wait3A_875 : memref<1x128xi32, #tpu.memory_space<vmem>> -> memref<128xi32, #tpu.memory_space<vmem>>
    %dma_wait3A_877 = arith.constant 0 : i32
    %dma_wait3A_878 = tpu.memref_slice %arg4[%dma_wait3A_877] : memref<800000xi32, #tpu.memory_space<hbm>> -> memref<800000xi32, #tpu.memory_space<hbm>>
    tpu.wait_indirect_dma semaphore(%arg17 : memref<!tpu.dma_semaphore, #tpu.memory_space<semaphore_mem>>) src(%dma_wait3A_878 : memref<800000xi32, #tpu.memory_space<hbm>>) dst(%dma_wait3A_873 : memref<128xi32, #tpu.memory_space<vmem>>)
    %dma_wait3A_879 = arith.constant 6 : i32
    %dma_wait3A_880 = arith.constant 6 : i32
    %dma_wait3A_881 = arith.constant 0 : i32
    %dma_wait3A_882 = tpu.memref_slice %arg11[%dma_wait3A_880, %dma_wait3A_881] : memref<8x128xi32, #tpu.memory_space<vmem>> -> memref<1x128xi32, #tpu.memory_space<vmem>>
    %dma_wait3A_883 = tpu.memref_squeeze %dma_wait3A_882 : memref<1x128xi32, #tpu.memory_space<vmem>> -> memref<128xi32, #tpu.memory_space<vmem>>
    %dma_wait3A_884 = arith.constant 0 : i32
    %dma_wait3A_885 = tpu.memref_slice %arg10[%dma_wait3A_879, %dma_wait3A_884] : memref<8x128xi32, #tpu.memory_space<vmem>> -> memref<1x128xi32, #tpu.memory_space<vmem>>
    %dma_wait3A_886 = tpu.memref_squeeze %dma_wait3A_885 : memref<1x128xi32, #tpu.memory_space<vmem>> -> memref<128xi32, #tpu.memory_space<vmem>>
    %dma_wait3A_887 = arith.constant 0 : i32
    %dma_wait3A_888 = tpu.memref_slice %arg3[%dma_wait3A_887] : memref<800000xi32, #tpu.memory_space<hbm>> -> memref<800000xi32, #tpu.memory_space<hbm>>
    tpu.wait_indirect_dma semaphore(%arg16 : memref<!tpu.dma_semaphore, #tpu.memory_space<semaphore_mem>>) src(%dma_wait3A_888 : memref<800000xi32, #tpu.memory_space<hbm>>) dst(%dma_wait3A_883 : memref<128xi32, #tpu.memory_space<vmem>>)
    %dma_wait3A_889 = arith.constant 6 : i32
    %dma_wait3A_890 = arith.constant 6 : i32
    %dma_wait3A_891 = arith.constant 0 : i32
    %dma_wait3A_892 = tpu.memref_slice %arg12[%dma_wait3A_890, %dma_wait3A_891] : memref<8x128xi32, #tpu.memory_space<vmem>> -> memref<1x128xi32, #tpu.memory_space<vmem>>
    %dma_wait3A_893 = tpu.memref_squeeze %dma_wait3A_892 : memref<1x128xi32, #tpu.memory_space<vmem>> -> memref<128xi32, #tpu.memory_space<vmem>>
    %dma_wait3A_894 = arith.constant 0 : i32
    %dma_wait3A_895 = tpu.memref_slice %arg10[%dma_wait3A_889, %dma_wait3A_894] : memref<8x128xi32, #tpu.memory_space<vmem>> -> memref<1x128xi32, #tpu.memory_space<vmem>>
    %dma_wait3A_896 = tpu.memref_squeeze %dma_wait3A_895 : memref<1x128xi32, #tpu.memory_space<vmem>> -> memref<128xi32, #tpu.memory_space<vmem>>
    %dma_wait3A_897 = arith.constant 0 : i32
    %dma_wait3A_898 = tpu.memref_slice %arg4[%dma_wait3A_897] : memref<800000xi32, #tpu.memory_space<hbm>> -> memref<800000xi32, #tpu.memory_space<hbm>>
    tpu.wait_indirect_dma semaphore(%arg17 : memref<!tpu.dma_semaphore, #tpu.memory_space<semaphore_mem>>) src(%dma_wait3A_898 : memref<800000xi32, #tpu.memory_space<hbm>>) dst(%dma_wait3A_893 : memref<128xi32, #tpu.memory_space<vmem>>)
    %dma_wait3A_899 = arith.constant 7 : i32
    %dma_wait3A_900 = arith.constant 7 : i32
    %dma_wait3A_901 = arith.constant 0 : i32
    %dma_wait3A_902 = tpu.memref_slice %arg11[%dma_wait3A_900, %dma_wait3A_901] : memref<8x128xi32, #tpu.memory_space<vmem>> -> memref<1x128xi32, #tpu.memory_space<vmem>>
    %dma_wait3A_903 = tpu.memref_squeeze %dma_wait3A_902 : memref<1x128xi32, #tpu.memory_space<vmem>> -> memref<128xi32, #tpu.memory_space<vmem>>
    %dma_wait3A_904 = arith.constant 0 : i32
    %dma_wait3A_905 = tpu.memref_slice %arg10[%dma_wait3A_899, %dma_wait3A_904] : memref<8x128xi32, #tpu.memory_space<vmem>> -> memref<1x128xi32, #tpu.memory_space<vmem>>
    %dma_wait3A_906 = tpu.memref_squeeze %dma_wait3A_905 : memref<1x128xi32, #tpu.memory_space<vmem>> -> memref<128xi32, #tpu.memory_space<vmem>>
    %dma_wait3A_907 = arith.constant 0 : i32
    %dma_wait3A_908 = tpu.memref_slice %arg3[%dma_wait3A_907] : memref<800000xi32, #tpu.memory_space<hbm>> -> memref<800000xi32, #tpu.memory_space<hbm>>
    tpu.wait_indirect_dma semaphore(%arg16 : memref<!tpu.dma_semaphore, #tpu.memory_space<semaphore_mem>>) src(%dma_wait3A_908 : memref<800000xi32, #tpu.memory_space<hbm>>) dst(%dma_wait3A_903 : memref<128xi32, #tpu.memory_space<vmem>>)
    %dma_wait3A_909 = arith.constant 7 : i32
    %dma_wait3A_910 = arith.constant 7 : i32
    %dma_wait3A_911 = arith.constant 0 : i32
    %dma_wait3A_912 = tpu.memref_slice %arg12[%dma_wait3A_910, %dma_wait3A_911] : memref<8x128xi32, #tpu.memory_space<vmem>> -> memref<1x128xi32, #tpu.memory_space<vmem>>
    %dma_wait3A_913 = tpu.memref_squeeze %dma_wait3A_912 : memref<1x128xi32, #tpu.memory_space<vmem>> -> memref<128xi32, #tpu.memory_space<vmem>>
    %dma_wait3A_914 = arith.constant 0 : i32
    %dma_wait3A_915 = tpu.memref_slice %arg10[%dma_wait3A_909, %dma_wait3A_914] : memref<8x128xi32, #tpu.memory_space<vmem>> -> memref<1x128xi32, #tpu.memory_space<vmem>>
    %dma_wait3A_916 = tpu.memref_squeeze %dma_wait3A_915 : memref<1x128xi32, #tpu.memory_space<vmem>> -> memref<128xi32, #tpu.memory_space<vmem>>
    %dma_wait3A_917 = arith.constant 0 : i32
    %dma_wait3A_918 = tpu.memref_slice %arg4[%dma_wait3A_917] : memref<800000xi32, #tpu.memory_space<hbm>> -> memref<800000xi32, #tpu.memory_space<hbm>>
    tpu.wait_indirect_dma semaphore(%arg17 : memref<!tpu.dma_semaphore, #tpu.memory_space<semaphore_mem>>) src(%dma_wait3A_918 : memref<800000xi32, #tpu.memory_space<hbm>>) dst(%dma_wait3A_913 : memref<128xi32, #tpu.memory_space<vmem>>)
    %dma_start3A_919 = arith.constant 0 : i32
    %dma_start3A_920 = tpu.memref_slice %arg5[%dma_start3A_919, %multiple_of3A] : memref<8x4096xi32, #tpu.memory_space<hbm>> -> memref<8x128xi32, #tpu.memory_space<hbm>>
    %dma_start3A_921 = arith.constant 0 : i32
    %dma_start3A_922 = tpu.memref_slice %arg5[%dma_start3A_921, %multiple_of3A] : memref<8x4096xi32, #tpu.memory_space<hbm>> -> memref<8x128xi32, #tpu.memory_space<hbm>>
    tpu.enqueue_dma source(%arg11 : memref<8x128xi32, #tpu.memory_space<vmem>>) target(%dma_start3A_922 : memref<8x128xi32, #tpu.memory_space<hbm>>) target_semaphore(%arg18 : memref<!tpu.dma_semaphore, #tpu.memory_space<semaphore_mem>>)
    %dma_start3A_923 = arith.constant 0 : i32
    %dma_start3A_924 = tpu.memref_slice %arg7[%dma_start3A_923, %multiple_of3A] : memref<8x4096xi32, #tpu.memory_space<hbm>> -> memref<8x128xi32, #tpu.memory_space<hbm>>
    %dma_start3A_925 = arith.constant 0 : i32
    %dma_start3A_926 = tpu.memref_slice %arg7[%dma_start3A_925, %multiple_of3A] : memref<8x4096xi32, #tpu.memory_space<hbm>> -> memref<8x128xi32, #tpu.memory_space<hbm>>
    tpu.enqueue_dma source(%arg12 : memref<8x128xi32, #tpu.memory_space<vmem>>) target(%dma_start3A_926 : memref<8x128xi32, #tpu.memory_space<hbm>>) target_semaphore(%arg18 : memref<!tpu.dma_semaphore, #tpu.memory_space<semaphore_mem>>)
    %scan3A = arith.constant 0 : i32
    %scan3A_927 = arith.constant 0 : i32
    %scan3A_928 = arith.constant 64 : i32
    %scan3A_929 = arith.addi %scan3A_927, %scan3A_928 : i32
    %scan3A_930 = arith.constant 1 : i32
    scf.for %scan3A_974 = %scan3A_927 to %scan3A_929 step %scan3A_930  : i32 {
      %jit3A = arith.constant 8 : i32
      %div3A = arith.divsi %scan3A_974, %jit3A : i32
      %sign3A = arith.constant 0 : i32
      %sign3A_975 = arith.cmpi sgt, %scan3A_974, %sign3A : i32
      %sign3A_976 = arith.extui %sign3A_975 : i1 to i32
      %sign3A_977 = arith.constant 0 : i32
      %sign3A_978 = arith.cmpi slt, %scan3A_974, %sign3A_977 : i32
      %sign3A_979 = arith.extui %sign3A_978 : i1 to i32
      %sign3A_980 = arith.subi %sign3A_976, %sign3A_979 : i32
      %sign3A_981 = arith.constant 0 : i32
      %sign3A_982 = arith.cmpi sgt, %jit3A, %sign3A_981 : i32
      %sign3A_983 = arith.extui %sign3A_982 : i1 to i32
      %sign3A_984 = arith.constant 0 : i32
      %sign3A_985 = arith.cmpi slt, %jit3A, %sign3A_984 : i32
      %sign3A_986 = arith.extui %sign3A_985 : i1 to i32
      %sign3A_987 = arith.subi %sign3A_983, %sign3A_986 : i32
      %ne3A = arith.cmpi ne, %sign3A_980, %sign3A_987 : i32
      %rem3A = arith.remsi %scan3A_974, %jit3A : i32
      %ne3A_988 = arith.constant 0 : i32
      %ne3A_989 = arith.cmpi ne, %rem3A, %ne3A_988 : i32
      %and3A = arith.andi %ne3A, %ne3A_989 : i1
      %sub3A = arith.constant 1 : i32
      %sub3A_990 = arith.subi %div3A, %sub3A : i32
      %select_n3A = arith.select %and3A, %sub3A_990, %div3A : i32
      %jit3A_991 = arith.constant 8 : i32
      %eq3A = arith.constant 0 : i32
      %eq3A_992 = arith.cmpi eq, %jit3A_991, %eq3A : i32
      %jit3A_993 = arith.constant 1 : i32
      %select_n3A_994 = arith.select %eq3A_992, %jit3A_993, %jit3A_991 : i32
      %rem3A_995 = arith.remsi %scan3A_974, %select_n3A_994 : i32
      %ne3A_996 = arith.constant 0 : i32
      %ne3A_997 = arith.cmpi ne, %rem3A_995, %ne3A_996 : i32
      %lt3A = arith.constant 0 : i32
      %lt3A_998 = arith.cmpi slt, %rem3A_995, %lt3A : i32
      %lt3A_999 = arith.constant 0 : i32
      %lt3A_1000 = arith.cmpi slt, %select_n3A_994, %lt3A_999 : i32
      %ne3A_1001 = arith.xori %lt3A_998, %lt3A_1000 : i1
      %and3A_1002 = arith.andi %ne3A_1001, %ne3A_997 : i1
      %add3A_1003 = arith.addi %rem3A_995, %select_n3A_994 : i32
      %select_n3A_1004 = arith.select %and3A_1002, %add3A_1003, %rem3A_995 : i32
      %mul3A_1005 = arith.constant 16 : i32
      %mul3A_1006 = arith.muli %select_n3A_1004, %mul3A_1005 : i32
      %multiple_of3A_1007 = tpu.assume_multiple %mul3A_1006, 16 : i32
      %get3A_1008 = arith.index_cast %select_n3A : i32 to index
      %get3A_1009 = arith.index_cast %multiple_of3A_1007 : i32 to index
      %get3A_1010 = tpu.vector_load %arg11[%get3A_1008, %get3A_1009] {strides = array<i32>} : memref<8x128xi32, #tpu.memory_space<vmem>>, vector<1x16xi32>,
      %get3A_1011 = vector.shape_cast %get3A_1010 : vector<1x16xi32> to vector<16xi32>
      %add3A_1012 = arith.constant 0 : i32
      %add3A_1013 = vector.broadcast %add3A_1012 : i32 to vector<16xi32>
      %add3A_1014 = arith.addi %get3A_1011, %add3A_1013 : vector<16xi32>
      %mul3A_1015 = arith.constant 8 : i32
      %mul3A_1016 = arith.muli %select_n3A, %mul3A_1015 : i32
      %add3A_1017 = arith.constant 0 : i32
      %add3A_1018 = arith.addi %mul3A_1016, %add3A_1017 : i32
      %mul3A_1019 = arith.constant 16 : i32
      %mul3A_1020 = arith.muli %select_n3A_1004, %mul3A_1019 : i32
      %multiple_of3A_1021 = tpu.assume_multiple %mul3A_1020, 16 : i32
      %swap3A_1022 = arith.index_cast %add3A_1018 : i32 to index
      %swap3A_1023 = arith.index_cast %multiple_of3A_1021 : i32 to index
      %swap3A_1024 = tpu.vector_load %arg13[%swap3A_1022, %swap3A_1023] {strides = array<i32>} : memref<64x128xi32, #tpu.memory_space<vmem>>, vector<1x16xi32>,
      %swap3A_1025 = vector.shape_cast %swap3A_1024 : vector<1x16xi32> to vector<16xi32>
      %swap3A_1026 = vector.shape_cast %add3A_1014 : vector<16xi32> to vector<1x16xi32>
      tpu.vector_store %arg13[%swap3A_1022, %swap3A_1023], %swap3A_1026 {strides = array<i32>} : memref<64x128xi32, #tpu.memory_space<vmem>>, vector<1x16xi32>,
      %add3A_1027 = arith.constant 100000 : i32
      %add3A_1028 = vector.broadcast %add3A_1027 : i32 to vector<16xi32>
      %add3A_1029 = arith.addi %get3A_1011, %add3A_1028 : vector<16xi32>
      %mul3A_1030 = arith.constant 8 : i32
      %mul3A_1031 = arith.muli %select_n3A, %mul3A_1030 : i32
      %add3A_1032 = arith.constant 1 : i32
      %add3A_1033 = arith.addi %mul3A_1031, %add3A_1032 : i32
      %mul3A_1034 = arith.constant 16 : i32
      %mul3A_1035 = arith.muli %select_n3A_1004, %mul3A_1034 : i32
      %multiple_of3A_1036 = tpu.assume_multiple %mul3A_1035, 16 : i32
      %swap3A_1037 = arith.index_cast %add3A_1033 : i32 to index
      %swap3A_1038 = arith.index_cast %multiple_of3A_1036 : i32 to index
      %swap3A_1039 = tpu.vector_load %arg13[%swap3A_1037, %swap3A_1038] {strides = array<i32>} : memref<64x128xi32, #tpu.memory_space<vmem>>, vector<1x16xi32>,
      %swap3A_1040 = vector.shape_cast %swap3A_1039 : vector<1x16xi32> to vector<16xi32>
      %swap3A_1041 = vector.shape_cast %add3A_1029 : vector<16xi32> to vector<1x16xi32>
      tpu.vector_store %arg13[%swap3A_1037, %swap3A_1038], %swap3A_1041 {strides = array<i32>} : memref<64x128xi32, #tpu.memory_space<vmem>>, vector<1x16xi32>,
      %add3A_1042 = arith.constant 200000 : i32
      %add3A_1043 = vector.broadcast %add3A_1042 : i32 to vector<16xi32>
      %add3A_1044 = arith.addi %get3A_1011, %add3A_1043 : vector<16xi32>
      %mul3A_1045 = arith.constant 8 : i32
      %mul3A_1046 = arith.muli %select_n3A, %mul3A_1045 : i32
      %add3A_1047 = arith.constant 2 : i32
      %add3A_1048 = arith.addi %mul3A_1046, %add3A_1047 : i32
      %mul3A_1049 = arith.constant 16 : i32
      %mul3A_1050 = arith.muli %select_n3A_1004, %mul3A_1049 : i32
      %multiple_of3A_1051 = tpu.assume_multiple %mul3A_1050, 16 : i32
      %swap3A_1052 = arith.index_cast %add3A_1048 : i32 to index
      %swap3A_1053 = arith.index_cast %multiple_of3A_1051 : i32 to index
      %swap3A_1054 = tpu.vector_load %arg13[%swap3A_1052, %swap3A_1053] {strides = array<i32>} : memref<64x128xi32, #tpu.memory_space<vmem>>, vector<1x16xi32>,
      %swap3A_1055 = vector.shape_cast %swap3A_1054 : vector<1x16xi32> to vector<16xi32>
      %swap3A_1056 = vector.shape_cast %add3A_1044 : vector<16xi32> to vector<1x16xi32>
      tpu.vector_store %arg13[%swap3A_1052, %swap3A_1053], %swap3A_1056 {strides = array<i32>} : memref<64x128xi32, #tpu.memory_space<vmem>>, vector<1x16xi32>,
      %add3A_1057 = arith.constant 300000 : i32
      %add3A_1058 = vector.broadcast %add3A_1057 : i32 to vector<16xi32>
      %add3A_1059 = arith.addi %get3A_1011, %add3A_1058 : vector<16xi32>
      %mul3A_1060 = arith.constant 8 : i32
      %mul3A_1061 = arith.muli %select_n3A, %mul3A_1060 : i32
      %add3A_1062 = arith.constant 3 : i32
      %add3A_1063 = arith.addi %mul3A_1061, %add3A_1062 : i32
      %mul3A_1064 = arith.constant 16 : i32
      %mul3A_1065 = arith.muli %select_n3A_1004, %mul3A_1064 : i32
      %multiple_of3A_1066 = tpu.assume_multiple %mul3A_1065, 16 : i32
      %swap3A_1067 = arith.index_cast %add3A_1063 : i32 to index
      %swap3A_1068 = arith.index_cast %multiple_of3A_1066 : i32 to index
      %swap3A_1069 = tpu.vector_load %arg13[%swap3A_1067, %swap3A_1068] {strides = array<i32>} : memref<64x128xi32, #tpu.memory_space<vmem>>, vector<1x16xi32>,
      %swap3A_1070 = vector.shape_cast %swap3A_1069 : vector<1x16xi32> to vector<16xi32>
      %swap3A_1071 = vector.shape_cast %add3A_1059 : vector<16xi32> to vector<1x16xi32>
      tpu.vector_store %arg13[%swap3A_1067, %swap3A_1068], %swap3A_1071 {strides = array<i32>} : memref<64x128xi32, #tpu.memory_space<vmem>>, vector<1x16xi32>,
      %add3A_1072 = arith.constant 400000 : i32
      %add3A_1073 = vector.broadcast %add3A_1072 : i32 to vector<16xi32>
      %add3A_1074 = arith.addi %get3A_1011, %add3A_1073 : vector<16xi32>
      %mul3A_1075 = arith.constant 8 : i32
      %mul3A_1076 = arith.muli %select_n3A, %mul3A_1075 : i32
      %add3A_1077 = arith.constant 4 : i32
      %add3A_1078 = arith.addi %mul3A_1076, %add3A_1077 : i32
      %mul3A_1079 = arith.constant 16 : i32
      %mul3A_1080 = arith.muli %select_n3A_1004, %mul3A_1079 : i32
      %multiple_of3A_1081 = tpu.assume_multiple %mul3A_1080, 16 : i32
      %swap3A_1082 = arith.index_cast %add3A_1078 : i32 to index
      %swap3A_1083 = arith.index_cast %multiple_of3A_1081 : i32 to index
      %swap3A_1084 = tpu.vector_load %arg13[%swap3A_1082, %swap3A_1083] {strides = array<i32>} : memref<64x128xi32, #tpu.memory_space<vmem>>, vector<1x16xi32>,
      %swap3A_1085 = vector.shape_cast %swap3A_1084 : vector<1x16xi32> to vector<16xi32>
      %swap3A_1086 = vector.shape_cast %add3A_1074 : vector<16xi32> to vector<1x16xi32>
      tpu.vector_store %arg13[%swap3A_1082, %swap3A_1083], %swap3A_1086 {strides = array<i32>} : memref<64x128xi32, #tpu.memory_space<vmem>>, vector<1x16xi32>,
      %add3A_1087 = arith.constant 500000 : i32
      %add3A_1088 = vector.broadcast %add3A_1087 : i32 to vector<16xi32>
      %add3A_1089 = arith.addi %get3A_1011, %add3A_1088 : vector<16xi32>
      %mul3A_1090 = arith.constant 8 : i32
      %mul3A_1091 = arith.muli %select_n3A, %mul3A_1090 : i32
      %add3A_1092 = arith.constant 5 : i32
      %add3A_1093 = arith.addi %mul3A_1091, %add3A_1092 : i32
      %mul3A_1094 = arith.constant 16 : i32
      %mul3A_1095 = arith.muli %select_n3A_1004, %mul3A_1094 : i32
      %multiple_of3A_1096 = tpu.assume_multiple %mul3A_1095, 16 : i32
      %swap3A_1097 = arith.index_cast %add3A_1093 : i32 to index
      %swap3A_1098 = arith.index_cast %multiple_of3A_1096 : i32 to index
      %swap3A_1099 = tpu.vector_load %arg13[%swap3A_1097, %swap3A_1098] {strides = array<i32>} : memref<64x128xi32, #tpu.memory_space<vmem>>, vector<1x16xi32>,
      %swap3A_1100 = vector.shape_cast %swap3A_1099 : vector<1x16xi32> to vector<16xi32>
      %swap3A_1101 = vector.shape_cast %add3A_1089 : vector<16xi32> to vector<1x16xi32>
      tpu.vector_store %arg13[%swap3A_1097, %swap3A_1098], %swap3A_1101 {strides = array<i32>} : memref<64x128xi32, #tpu.memory_space<vmem>>, vector<1x16xi32>,
      %add3A_1102 = arith.constant 600000 : i32
      %add3A_1103 = vector.broadcast %add3A_1102 : i32 to vector<16xi32>
      %add3A_1104 = arith.addi %get3A_1011, %add3A_1103 : vector<16xi32>
      %mul3A_1105 = arith.constant 8 : i32
      %mul3A_1106 = arith.muli %select_n3A, %mul3A_1105 : i32
      %add3A_1107 = arith.constant 6 : i32
      %add3A_1108 = arith.addi %mul3A_1106, %add3A_1107 : i32
      %mul3A_1109 = arith.constant 16 : i32
      %mul3A_1110 = arith.muli %select_n3A_1004, %mul3A_1109 : i32
      %multiple_of3A_1111 = tpu.assume_multiple %mul3A_1110, 16 : i32
      %swap3A_1112 = arith.index_cast %add3A_1108 : i32 to index
      %swap3A_1113 = arith.index_cast %multiple_of3A_1111 : i32 to index
      %swap3A_1114 = tpu.vector_load %arg13[%swap3A_1112, %swap3A_1113] {strides = array<i32>} : memref<64x128xi32, #tpu.memory_space<vmem>>, vector<1x16xi32>,
      %swap3A_1115 = vector.shape_cast %swap3A_1114 : vector<1x16xi32> to vector<16xi32>
      %swap3A_1116 = vector.shape_cast %add3A_1104 : vector<16xi32> to vector<1x16xi32>
      tpu.vector_store %arg13[%swap3A_1112, %swap3A_1113], %swap3A_1116 {strides = array<i32>} : memref<64x128xi32, #tpu.memory_space<vmem>>, vector<1x16xi32>,
      %add3A_1117 = arith.constant 700000 : i32
      %add3A_1118 = vector.broadcast %add3A_1117 : i32 to vector<16xi32>
      %add3A_1119 = arith.addi %get3A_1011, %add3A_1118 : vector<16xi32>
      %mul3A_1120 = arith.constant 8 : i32
      %mul3A_1121 = arith.muli %select_n3A, %mul3A_1120 : i32
      %add3A_1122 = arith.constant 7 : i32
      %add3A_1123 = arith.addi %mul3A_1121, %add3A_1122 : i32
      %mul3A_1124 = arith.constant 16 : i32
      %mul3A_1125 = arith.muli %select_n3A_1004, %mul3A_1124 : i32
      %multiple_of3A_1126 = tpu.assume_multiple %mul3A_1125, 16 : i32
      %swap3A_1127 = arith.index_cast %add3A_1123 : i32 to index
      %swap3A_1128 = arith.index_cast %multiple_of3A_1126 : i32 to index
      %swap3A_1129 = tpu.vector_load %arg13[%swap3A_1127, %swap3A_1128] {strides = array<i32>} : memref<64x128xi32, #tpu.memory_space<vmem>>, vector<1x16xi32>,
      %swap3A_1130 = vector.shape_cast %swap3A_1129 : vector<1x16xi32> to vector<16xi32>
      %swap3A_1131 = vector.shape_cast %add3A_1119 : vector<16xi32> to vector<1x16xi32>
      tpu.vector_store %arg13[%swap3A_1127, %swap3A_1128], %swap3A_1131 {strides = array<i32>} : memref<64x128xi32, #tpu.memory_space<vmem>>, vector<1x16xi32>,
    }
    %scan3A_931 = arith.constant 64 : i32
    %scan3A_932 = arith.constant 0 : i32
    %scan3A_933 = arith.constant 0 : i32
    %scan3A_934 = arith.constant 64 : i32
    %scan3A_935 = arith.addi %scan3A_933, %scan3A_934 : i32
    %scan3A_936 = arith.constant 1 : i32
    scf.for %scan3A_974 = %scan3A_933 to %scan3A_935 step %scan3A_936  : i32 {
      %dma_start3A_975 = arith.constant 0 : i32
      %dma_start3A_976 = tpu.memref_slice %arg14[%scan3A_974, %dma_start3A_975] : memref<64x128xi32, #tpu.memory_space<vmem>> -> memref<1x128xi32, #tpu.memory_space<vmem>>
      %dma_start3A_977 = tpu.memref_squeeze %dma_start3A_976 : memref<1x128xi32, #tpu.memory_space<vmem>> -> memref<128xi32, #tpu.memory_space<vmem>>
      %dma_start3A_978 = arith.constant 0 : i32
      %dma_start3A_979 = tpu.memref_slice %arg13[%scan3A_974, %dma_start3A_978] : memref<64x128xi32, #tpu.memory_space<vmem>> -> memref<1x128xi32, #tpu.memory_space<vmem>>
      %dma_start3A_980 = tpu.memref_squeeze %dma_start3A_979 : memref<1x128xi32, #tpu.memory_space<vmem>> -> memref<128xi32, #tpu.memory_space<vmem>>
      %dma_start3A_981 = arith.constant 0 : i32
      %dma_start3A_982 = tpu.memref_slice %arg3[%dma_start3A_981] : memref<800000xi32, #tpu.memory_space<hbm>> -> memref<800000xi32, #tpu.memory_space<hbm>>
      tpu.enqueue_indirect_dma source(%dma_start3A_982 : memref<800000xi32, #tpu.memory_space<hbm>>) target(%dma_start3A_977 : memref<128xi32, #tpu.memory_space<vmem>>) offsets(%dma_start3A_980 : memref<128xi32, #tpu.memory_space<vmem>>) semaphore(%arg16 : memref<!tpu.dma_semaphore, #tpu.memory_space<semaphore_mem>>)
      %dma_start3A_983 = arith.constant 0 : i32
      %dma_start3A_984 = tpu.memref_slice %arg15[%scan3A_974, %dma_start3A_983] : memref<64x128xi32, #tpu.memory_space<vmem>> -> memref<1x128xi32, #tpu.memory_space<vmem>>
      %dma_start3A_985 = tpu.memref_squeeze %dma_start3A_984 : memref<1x128xi32, #tpu.memory_space<vmem>> -> memref<128xi32, #tpu.memory_space<vmem>>
      %dma_start3A_986 = arith.constant 0 : i32
      %dma_start3A_987 = tpu.memref_slice %arg13[%scan3A_974, %dma_start3A_986] : memref<64x128xi32, #tpu.memory_space<vmem>> -> memref<1x128xi32, #tpu.memory_space<vmem>>
      %dma_start3A_988 = tpu.memref_squeeze %dma_start3A_987 : memref<1x128xi32, #tpu.memory_space<vmem>> -> memref<128xi32, #tpu.memory_space<vmem>>
      %dma_start3A_989 = arith.constant 0 : i32
      %dma_start3A_990 = tpu.memref_slice %arg4[%dma_start3A_989] : memref<800000xi32, #tpu.memory_space<hbm>> -> memref<800000xi32, #tpu.memory_space<hbm>>
      tpu.enqueue_indirect_dma source(%dma_start3A_990 : memref<800000xi32, #tpu.memory_space<hbm>>) target(%dma_start3A_985 : memref<128xi32, #tpu.memory_space<vmem>>) offsets(%dma_start3A_988 : memref<128xi32, #tpu.memory_space<vmem>>) semaphore(%arg17 : memref<!tpu.dma_semaphore, #tpu.memory_space<semaphore_mem>>)
    }
    %scan3A_937 = arith.constant 64 : i32
    %dma_wait3A_938 = arith.constant 0 : i32
    %dma_wait3A_939 = arith.constant 0 : i32
    %dma_wait3A_940 = tpu.memref_slice %arg6[%dma_wait3A_938, %dma_wait3A_939] : memref<64x4096xi32, #tpu.memory_space<hbm>> -> memref<64x128xi32, #tpu.memory_space<hbm>>
    %dma_wait3A_941 = arith.constant 0 : i32
    %dma_wait3A_942 = arith.constant 0 : i32
    %dma_wait3A_943 = tpu.memref_slice %arg6[%dma_wait3A_941, %dma_wait3A_942] : memref<64x4096xi32, #tpu.memory_space<hbm>> -> memref<64x128xi32, #tpu.memory_space<hbm>>
    tpu.wait_dma2 semaphore(%arg16 : memref<!tpu.dma_semaphore, #tpu.memory_space<semaphore_mem>>) src(%dma_wait3A_943 : memref<64x128xi32, #tpu.memory_space<hbm>>) dst(%arg14 : memref<64x128xi32, #tpu.memory_space<vmem>>)
    %dma_wait3A_944 = arith.constant 0 : i32
    %dma_wait3A_945 = arith.constant 0 : i32
    %dma_wait3A_946 = tpu.memref_slice %arg8[%dma_wait3A_944, %dma_wait3A_945] : memref<64x4096xi32, #tpu.memory_space<hbm>> -> memref<64x128xi32, #tpu.memory_space<hbm>>
    %dma_wait3A_947 = arith.constant 0 : i32
    %dma_wait3A_948 = arith.constant 0 : i32
    %dma_wait3A_949 = tpu.memref_slice %arg8[%dma_wait3A_947, %dma_wait3A_948] : memref<64x4096xi32, #tpu.memory_space<hbm>> -> memref<64x128xi32, #tpu.memory_space<hbm>>
    tpu.wait_dma2 semaphore(%arg17 : memref<!tpu.dma_semaphore, #tpu.memory_space<semaphore_mem>>) src(%dma_wait3A_949 : memref<64x128xi32, #tpu.memory_space<hbm>>) dst(%arg15 : memref<64x128xi32, #tpu.memory_space<vmem>>)
    %dma_start3A_950 = arith.constant 0 : i32
    %dma_start3A_951 = tpu.memref_slice %arg6[%dma_start3A_950, %multiple_of3A] : memref<64x4096xi32, #tpu.memory_space<hbm>> -> memref<64x128xi32, #tpu.memory_space<hbm>>
    %dma_start3A_952 = arith.constant 0 : i32
    %dma_start3A_953 = tpu.memref_slice %arg6[%dma_start3A_952, %multiple_of3A] : memref<64x4096xi32, #tpu.memory_space<hbm>> -> memref<64x128xi32, #tpu.memory_space<hbm>>
    tpu.enqueue_dma source(%arg14 : memref<64x128xi32, #tpu.memory_space<vmem>>) target(%dma_start3A_953 : memref<64x128xi32, #tpu.memory_space<hbm>>) target_semaphore(%arg18 : memref<!tpu.dma_semaphore, #tpu.memory_space<semaphore_mem>>)
    %dma_start3A_954 = arith.constant 0 : i32
    %dma_start3A_955 = tpu.memref_slice %arg8[%dma_start3A_954, %multiple_of3A] : memref<64x4096xi32, #tpu.memory_space<hbm>> -> memref<64x128xi32, #tpu.memory_space<hbm>>
    %dma_start3A_956 = arith.constant 0 : i32
    %dma_start3A_957 = tpu.memref_slice %arg8[%dma_start3A_956, %multiple_of3A] : memref<64x4096xi32, #tpu.memory_space<hbm>> -> memref<64x128xi32, #tpu.memory_space<hbm>>
    tpu.enqueue_dma source(%arg15 : memref<64x128xi32, #tpu.memory_space<vmem>>) target(%dma_start3A_957 : memref<64x128xi32, #tpu.memory_space<hbm>>) target_semaphore(%arg18 : memref<!tpu.dma_semaphore, #tpu.memory_space<semaphore_mem>>)
    %dma_wait3A_958 = arith.constant 0 : i32
    %dma_wait3A_959 = tpu.memref_slice %arg5[%dma_wait3A_958, %multiple_of3A] : memref<8x4096xi32, #tpu.memory_space<hbm>> -> memref<8x128xi32, #tpu.memory_space<hbm>>
    %dma_wait3A_960 = arith.constant 0 : i32
    %dma_wait3A_961 = tpu.memref_slice %arg5[%dma_wait3A_960, %multiple_of3A] : memref<8x4096xi32, #tpu.memory_space<hbm>> -> memref<8x128xi32, #tpu.memory_space<hbm>>
    tpu.wait_dma2 semaphore(%arg18 : memref<!tpu.dma_semaphore, #tpu.memory_space<semaphore_mem>>) src(%arg11 : memref<8x128xi32, #tpu.memory_space<vmem>>) dst(%dma_wait3A_961 : memref<8x128xi32, #tpu.memory_space<hbm>>)
    %dma_wait3A_962 = arith.constant 0 : i32
    %dma_wait3A_963 = tpu.memref_slice %arg7[%dma_wait3A_962, %multiple_of3A] : memref<8x4096xi32, #tpu.memory_space<hbm>> -> memref<8x128xi32, #tpu.memory_space<hbm>>
    %dma_wait3A_964 = arith.constant 0 : i32
    %dma_wait3A_965 = tpu.memref_slice %arg7[%dma_wait3A_964, %multiple_of3A] : memref<8x4096xi32, #tpu.memory_space<hbm>> -> memref<8x128xi32, #tpu.memory_space<hbm>>
    tpu.wait_dma2 semaphore(%arg18 : memref<!tpu.dma_semaphore, #tpu.memory_space<semaphore_mem>>) src(%arg12 : memref<8x128xi32, #tpu.memory_space<vmem>>) dst(%dma_wait3A_965 : memref<8x128xi32, #tpu.memory_space<hbm>>)
    %dma_wait3A_966 = arith.constant 0 : i32
    %dma_wait3A_967 = tpu.memref_slice %arg6[%dma_wait3A_966, %multiple_of3A] : memref<64x4096xi32, #tpu.memory_space<hbm>> -> memref<64x128xi32, #tpu.memory_space<hbm>>
    %dma_wait3A_968 = arith.constant 0 : i32
    %dma_wait3A_969 = tpu.memref_slice %arg6[%dma_wait3A_968, %multiple_of3A] : memref<64x4096xi32, #tpu.memory_space<hbm>> -> memref<64x128xi32, #tpu.memory_space<hbm>>
    tpu.wait_dma2 semaphore(%arg18 : memref<!tpu.dma_semaphore, #tpu.memory_space<semaphore_mem>>) src(%arg14 : memref<64x128xi32, #tpu.memory_space<vmem>>) dst(%dma_wait3A_969 : memref<64x128xi32, #tpu.memory_space<hbm>>)
    %dma_wait3A_970 = arith.constant 0 : i32
    %dma_wait3A_971 = tpu.memref_slice %arg8[%dma_wait3A_970, %multiple_of3A] : memref<64x4096xi32, #tpu.memory_space<hbm>> -> memref<64x128xi32, #tpu.memory_space<hbm>>
    %dma_wait3A_972 = arith.constant 0 : i32
    %dma_wait3A_973 = tpu.memref_slice %arg8[%dma_wait3A_972, %multiple_of3A] : memref<64x4096xi32, #tpu.memory_space<hbm>> -> memref<64x128xi32, #tpu.memory_space<hbm>>
    tpu.wait_dma2 semaphore(%arg18 : memref<!tpu.dma_semaphore, #tpu.memory_space<semaphore_mem>>) src(%arg15 : memref<64x128xi32, #tpu.memory_space<vmem>>) dst(%dma_wait3A_973 : memref<64x128xi32, #tpu.memory_space<hbm>>)
    return
  }
}

</mosaic_0001>

<sc_bundles>
// kernel: kernel.3.cloned.1.call-start
scs
__scs_entry_jumppad:
0x0: {  	(pc) =	sbr.rel $0x88, $3  }
0x1: {  	(tag) =	ssettag $0x0;
	lr =	simm.s32 $0x1  }
0x2: {  	[smem:$0x3F9E] =	sst lr;
	_ =	strace $0xD0000000  }
0x3: {  	_ = 	snop  }
0x4: {  	_ = 	snop  }
0x5: {  	_ = 	snop  }
0x6: {  	_ = 	snop  }
0x7: {  	_ = 	snop  }
__scs_overlays_trampoline_lowered:
0x8: {  	[smem:$0x3FAD] =	sst s0  }
0x9: {  	[smem:$0x3FAE] =	sst s1  }
0xa: {  	[smem:$0x3FAF] =	sst s2  }
0xb: {  	[smem:$0x3FB0] =	sst s3  }
0xc: {  	[smem:$0x3FB1] =	sst s4  }
0xd: {  	[smem:$0x3FB2] =	sst s5  }
0xe: {  	[smem:$0x3FB3] =	sst s6  }
0xf: {  	[smem:$0x3FB4] =	sst s7  }
0x10: {  	[smem:$0x3FB5] =	sst s8  }
0x11: {  	[smem:$0x3FB6] =	sst s9;
	s0 =	simm.s32 @!p0 $0x0  }
0x12: {  	s1 =	sld [smem:$0x3F9C];
	s0 =	simm.s32 @p0 $0x1  }
0x13: {  	[smem:$0x3FB7] =	sst s0;
	s0 =	simm.s32 @!p1 $0x0  }
0x14: {  	s2 =	sld [smem:$0x3F9B];
	s0 =	simm.s32 @p1 $0x1  }
0x15: {  	[smem:$0x3FB8] =	sst s0;
	s0 =	simm.s32 @!p2 $0x0  }
0x16: {  	s3 =	sld [smem:$0x3FDB];
	s0 =	simm.s32 @p2 $0x1  }
0x17: {  	s4 =	simm.s32 $0x1BF5;
	[smem:$0x3FBA] =	sst s0  }
0x18: {  	s0 =	sld [smem:$0x3F9D];
	_ =	swait.ge [sflag:s4], $0x0  }
0x19: {  	s7 =	sld [smem:$0x3F9E]  }
0x1a: {  	s8 =	sadd.s32 $0xFFFFE003, lr  }
0x1b: {  	s9 =	sadd.s32 $0xFFFFFEF7, lr;
	s5 =	simm.s32 $0xFFFFFFFF;
	p2 =	slt.u32 s8, $0xFFFFF086  }
0x1c: {  	p1 =	slt.u32 s9, $0xF7A;
	s5 =	simm.s32 @!p2 $0x0  }
0x1d: {  	s5 =	simm.s32 @p1 $0x1;
	p0 =	seq.s32 s7, s2  }
0x1e: {  	s7 =	smul.u32 @!p0 $0xF7A, s2;
	p2 =	seq.s32 @!p0 s5, $0x0  }
0x1f: {  	s9 =	smul.u32 $0xF7A, s1;
	s8 =	simm.s32 @!p0 $0x1BF5;
	p2 =	por !p2, p0  }
0x20: {  	[sflag:s8] =	ssyncset.s32 @!p0 $0xFFFFF086;
	s6 =	sadd.s32 @!p0 s3, s7;
	s7 =	simm.s32 @!p0 $0x108  }
0x21: {  	s3 =	sadd.s32 s3, s9;
	s6 =	sadd.s32 @!p0 $0x88, s6;
	s7 =	simm.s32 @p2 $0x1082  }
0x22: {  	[simem:s7], [sflag:s8] =	dma.local @!p0 [hbm:s6], $0xF7A  }
0x23: {  	s9 =	sor.u32 $0xD0000000, s2;
	s6 =	simm.s32 $0x108;
	_ =	swait.ge @!p0 [sflag:s8], $0x0  }
0x24: {  	s3 =	sadd.s32 $0x88, s3;
	s6 =	simm.s32 @!p1 $0x1082;
	[sflag:s4] =	ssyncset.s32 $0xFFFFF086  }
0x25: {  	[simem:s6], [sflag:s4] =	dma.local [hbm:s3], $0xF7A  }
0x26: {  	[smem:$0x3F9E] =	sst s1;
	(tag) =	ssettag s2;
	_ =	strace s9  }
0x27: {  	s1 =	sld [smem:$0x3FAE]  }
0x28: {  	s2 =	sld [smem:$0x3FAF]  }
0x29: {  	s4 =	sld [smem:$0x3FB1]  }
0x2a: {  	p0 =	seq.s32 s5, $0x0;
	s5 =	sld [smem:$0x3FB2]  }
0x2b: {  	s6 =	sld [smem:$0x3FB3]  }
0x2c: {  	s7 =	sld [smem:$0x3FB4]  }
0x2d: {  	s3 =	simm.s32 $0x108;
	s8 =	sld [smem:$0x3FB5]  }
0x2e: {  	s3 =	simm.s32 @!p0 $0x1082;
	s9 =	sld [smem:$0x3FB6]  }
0x2f: {  	lr =	sadd.s32 s0, s3;
	s0 =	sld [smem:$0x3FAD]  }
0x30: {  	s3 =	sld [smem:$0x3FB0]  }
0x31: {  	[smem:$0x3FB9] =	sst s10  }
0x32: {  	s10 =	sld [smem:$0x3FB7];
	_ =	sdelay $0x3  }
0x33: {  	p0 =	seq.s32 s10, $0x1;
	s10 =	sld [smem:$0x3FB9];
	_ =	sdelay $0x3  }
0x34: {  	[smem:$0x3FB9] =	sst s10  }
0x35: {  	s10 =	sld [smem:$0x3FB8];
	_ =	sdelay $0x3  }
0x36: {  	p1 =	seq.s32 s10, $0x1;
	s10 =	sld [smem:$0x3FB9];
	_ =	sdelay $0x3  }
0x37: {  	[smem:$0x3FB9] =	sst s10  }
0x38: {  	s10 =	sld [smem:$0x3FBA]  }
0x39: {  	_ = 	snop;
	(pc) =	sbr.ind lr, $3  }
0x3a: {  	_ = 	snop  }
0x3b: {  	_ = 	snop  }
0x3c: {  	p2 =	seq.s32 s10, $0x1;
	s10 =	sld [smem:$0x3FB9]  }
0x3d: {  	_ =	shalt  }
0x3e: {  	_ =	shalt  }
0x3f: {  	_ =	shalt  }
0x40: {  	_ =	shalt  }
0x41: {  	_ =	shalt  }
0x42: {  	_ =	shalt  }
0x43: {  	_ =	shalt  }
0x44: {  	_ =	shalt  }
0x45: {  	_ =	shalt  }
0x46: {  	_ =	shalt  }
0x47: {  	_ =	shalt  }
0x48: {  	_ =	shalt  }
0x49: {  	_ =	shalt  }
0x4a: {  	_ =	shalt  }
0x4b: {  	_ =	shalt  }
0x4c: {  	_ =	shalt  }
0x4d: {  	_ =	shalt  }
0x4e: {  	_ =	shalt  }
0x4f: {  	_ =	shalt  }
0x50: {  	_ =	shalt  }
0x51: {  	_ =	shalt  }
0x52: {  	_ =	shalt  }
0x53: {  	_ =	shalt  }
0x54: {  	_ =	shalt  }
0x55: {  	_ =	shalt  }
0x56: {  	_ =	shalt  }
0x57: {  	_ =	shalt  }
0x58: {  	_ =	shalt  }
0x59: {  	_ =	shalt  }
0x5a: {  	_ =	shalt  }
0x5b: {  	_ =	shalt  }
0x5c: {  	_ =	shalt  }
0x5d: {  	_ =	shalt  }
0x5e: {  	_ =	shalt  }
0x5f: {  	_ =	shalt  }
0x60: {  	_ =	shalt  }
0x61: {  	_ =	shalt  }
0x62: {  	_ =	shalt  }
0x63: {  	_ =	shalt  }
0x64: {  	_ =	shalt  }
0x65: {  	_ =	shalt  }
0x66: {  	_ =	shalt  }
0x67: {  	_ =	shalt  }
0x68: {  	_ =	shalt  }
0x69: {  	_ =	shalt  }
0x6a: {  	_ =	shalt  }
0x6b: {  	_ =	shalt  }
0x6c: {  	_ =	shalt  }
0x6d: {  	_ =	shalt  }
0x6e: {  	_ =	shalt  }
0x6f: {  	_ =	shalt  }
0x70: {  	_ =	shalt  }
0x71: {  	_ =	shalt  }
0x72: {  	_ =	shalt  }
0x73: {  	_ =	shalt  }
0x74: {  	_ =	shalt  }
0x75: {  	_ =	shalt  }
0x76: {  	_ =	shalt  }
0x77: {  	_ =	shalt  }
0x78: {  	_ =	shalt  }
0x79: {  	_ =	shalt  }
0x7a: {  	_ =	shalt  }
0x7b: {  	_ =	shalt  }
0x7c: {  	_ =	shalt  }
0x7d: {  	_ =	shalt  }
0x7e: {  	_ =	shalt  }
0x7f: {  	_ =	shalt  }
0x80: {  	_ =	shalt  }
0x81: {  	_ =	shalt  }
0x82: {  	_ =	shalt  }
0x83: {  	_ =	shalt  }
0x84: {  	_ =	shalt  }
0x85: {  	_ =	shalt  }
0x86: {  	_ =	shalt  }
0x87: {  	_ =	shalt  }
.Lfunc_end0:
.L_simem_size_0:
called_computation_lowered:
.L_overlay_start_0:
0x88: {  	s2 =	sld [smem:$0x3FD9]  }
0x89: {  	s3 =	sld [smem:$0x3FFE];
	_ =	sdelay $0x1  }
0x8a: {  	s1 =	srdreg.scid  }
0x8b: {  	s0 =	sand.u32 $0x1, s1  }
0x8c: {  	s14 =	sshll.u32 s0, $0xA;
	s2 =	sadd.s32 s3, s2  }
0x8d: {  	s2 =	sadd.s32 s2, s14  }
0x8e: {  	[smem:$0x3FC5] =	sst s2  }
0x8f: {  	_ = 	snop  }
0x90: {  	s2 =	sld [smem:$0x3FD0];
	_ =	sdelay $0x2  }
0x91: {  	s4 =	simm.s32 $0xA;
	s5 =	simm.s32 $0x10;
	s15 =	sld [smem:$0x3FC9]  }
0x92: {  	[smem:s5], [sflag:s4] =	dma.local [hbm:s2], $0x1  }
0x93: {  	_ =	swait.eq [sflag:s4], $0x1  }
0x94: {  	s16 =	sld [smem:$0x11]  }
0x95: {  	s17 =	sld [smem:$0x12];
	[sflag:s4] =	ssyncset.done $0x0  }
0x96: {  	s6 =	sld [smem:$0x13];
	[sflag:s4] =	ssyncadd.s32 $0xFFFFFFFF  }
0x97: {  	s18 =	sld [smem:$0x14];
	(tm) =	ssettm $0x1  }
0x98: {  	s7 =	sld [smem:$0x3FFB];
	_ =	sdelay $0x3  }
0x99: {  	_ =	strace s7  }
0x9a: {  	s7 =	sld [smem:$0x3FFC];
	_ =	sdelay $0x3  }
0x9b: {  	_ =	strace s7  }
0x9c: {  	s7 =	sld [smem:$0x3FFD];
	_ =	sdelay $0x3  }
0x9d: {  	_ =	strace s7  }
0x9e: {  	_ =	strace $0x8FFFFFFF  }
0x9f: {  	s19 =	sld [smem:$0x3FDB];
	_ =	sdelay $0x1  }
0xa0: {  	s8 =	simm.s32 $_scs_section_size  }
0xa1: {  	s9 =	simm.s32 $_size__tile_overlayer_lowered;
	s10 =	simm.s32 $_tile_overlayer_lowered  }
0xa2: {  	s22 =	simm.s32 $0x1BFF;
	s21 =	sshll.u32 s10, $0x1;
	s7 =	sadd.s32 s8, s19  }
0xa3: {  	s11 =	simm.s32 $0x0;
	s20 =	sshll.u32 s9, $0x1;
	s9 =	sadd.s32 s21, s7  }
0xa4: {  	[timem:s11], [sflag:s22] =	dma.local [hbm:s9], s20  }
0xa5: {  	_ =	swait.ge [sflag:s22], s20  }
0xa6: {  	s8 =	ssub.s32 $0x0, s20;
	[sflag:s22] =	ssyncset.done $0x0  }
0xa7: {  	[sflag:s22] =	ssyncadd.s32 s8;
	_ =	sdelay $0x1  }
0xa8: {  	s23 =	simm.s32 $0x1B8B  }
0xa9: {  	_ =	swait.ge [sflag:s23], $0x1  }
0xaa: {  	[sflag:s23] =	ssyncset.done $0x0  }
0xab: {  	s25 =	simm.s32 $0x1B8E;
	s24 =	sld [smem:$0x3FFE];
	[sflag:s23] =	ssyncadd.s32 $0xFFFFFFFF  }
0xac: {  	s26 =	simm.s32 $execute0_lowered;
	[smem:$0x3FD2] =	sst s25  }
0xad: {  	s9 =	sshll.u32 s26, $0x1;
	_ =	strace $0x80000046;
	[dreg:$0x1] =	wrdreg $0xFFFFFFFF  }
0xae: {  	s28 =	simm.s32 $_size_execute0_lowered;
	s7 =	sadd.s32 s7, s9;
	[dreg:$0x0] =	wrdreg $0x0  }
0xaf: {  	s9 =	sshll.u32 s28, $0x1;
	[dreg:$0x2] =	wrdreg s7  }
0xb0: {  	[dreg:$0x3] =	wrdreg s9  }
0xb1: {  	[dreg:$0x4] =	wrdreg $0xC0  }
0xb2: {  	_ =	task [dreg:s11], $0x5FFFF  }
0xb3: {  	[dreg:$0x1] =	wrdreg $0xFFFFFFFF  }
0xb4: {  	[dreg:$0x0] =	wrdreg $0x60  }
0xb5: {  	[dreg:$0x2] =	wrdreg s15  }
0xb6: {  	[dreg:$0x3] =	wrdreg s24  }
0xb7: {  	[dreg:$0x4] =	wrdreg s16  }
0xb8: {  	[dreg:$0x5] =	wrdreg s17  }
0xb9: {  	[dreg:$0x6] =	wrdreg s6  }
0xba: {  	[dreg:$0x7] =	wrdreg s18  }
0xbb: {  	[dreg:$0x8] =	wrdreg $0x9  }
0xbc: {  	_ =	task.clear_ibuf [dreg:s11], $0x9FFFF;
	_ =	strace $0x90000046  }
0xbd: {  	s29 =	simm.s32 $0x9;
	_ =	strace $0x80000048  }
0xbe: {  	_ =	swait.ge [sflag:s29], $0x1  }
0xbf: {  	[sflag:s29] =	ssyncadd.s32 $0xFFFFFFFF  }
0xc0: {  	_ =	strace $0x90000048  }
0xc1: {  	_ =	sfence  }
0xc2: {  	s30 =	sld [smem:$0x0];
	_ =	sdelay $0x2  }
0xc3: {  	s31 =	sshll.u32 s1, $0xD;
	s1 =	sshrl.u32 s1, $0x2  }
0xc4: {  	s3 =	sand.u32 $0x4000, s31;
	s1 =	sadd.s32 s1, s30  }
0xc5: {  	s0 =	sor.u32 s3, s0;
	s1 =	sshll.u32 s1, $0x11  }
0xc6: {  	s0 =	sor.u32 s1, s0  }
0xc7: {  	s0 =	sadd.s32 $0x8F2B, s0  }
0xc8: {  	[sflag:s0] =	ssyncadd.remote.s32 $0x1  }
0xc9: {  	_ =	sfence.sel $0xFFFF  }
0xca: {  	[dreg:$0x0] =	wrdreg $0xFFFFFFFF;
	(pc) =	sbr.abs _section_cstart, $3  }
0xcb: {  	[dreg:$0x1] =	wrdreg $0xFFFFFFFF  }
0xcc: {  	_ =	task.clear_ibuf [dreg:s11], $0x2FFFF;
	_ =	strace $0x9FFFFFFF  }
0xcd: {  	(tm) =	ssettm $0x7FFFFFFF  }
tec
execute0_lowered:
.L_overlay_start_1:
0x0: {  	(tag) =	ssettag $0x1  }
0x1: {  	s0 =	rddreg [dreg:$0x0]  }
0x2: {  	s1 =	rddreg [dreg:$0x1]  }
0x3: {  	s6 =	rddreg [dreg:$0x2]  }
0x4: {  	s8 =	rddreg [dreg:$0x3]  }
0x5: {  	s7 =	rddreg [dreg:$0x4]  }
0x6: {  	s9 =	rddreg [dreg:$0x5];
	s2 =	simm.s32 $0x0  }
0x7: {  	s4 =	srdreg.scid;
	s10 =	stileid.u32;
	s13 =	simm.s32 $0x480  }
0x8: {  	s14 =	simm.s32 $0x880;
	s15 =	simm.s32 $0x100;
	s18 =	simm.s32 $0x180  }
0x9: {  	s21 =	simm.s32 $0x200;
	s24 =	simm.s32 $0x280;
	s28 =	simm.s32 $0x300  }
0xa: {  	s31 =	simm.s32 $0x380;
	s16 =	simm.s32 $0x400;
	s20 =	simm.s32 $0x1  }
0xb: {  	s22 =	simm.s32 $0x2;
	s23 =	simm.s32 $0x8000;
	s29 =	simm.s32 $0x3  }
0xc: {  	s30 =	simm.s32 $0x0;
	[smem:$0x7FF] =	sst s2;
	s3 =	sadd.s32 $0xC00, s1  }
0xd: {  	s5 =	sand.u32 $0x1, s4;
	s10 =	sshll.u32 s10, $0x1;
	s4 =	sadd.s32 $0x19400, s1  }
0xe: {  	_ =	strace $0x80000047;
	s25 =	ssub.s32 $0x2, s5;
	s5 =	sor.u32 s5, s10  }
0xf: {  	s26 =	sshrl.u32 s25, $0x1;
	s11 =	sshll.u32 s5, $0x4;
	s12 =	sshll.u32 s5, $0x7  }
0x10: {  	s1 =	ssub.s32 s25, s26;
	s5 =	sadd.s32 s0, s11;
	s6 =	sadd.s32 s6, s12  }
0x11: {  	s7 =	sadd.s32 s7, s12;
	s8 =	sadd.s32 s8, s12;
	s9 =	sadd.s32 s9, s12  }
0x12: {  	s11 =	simm.s32 $0x4;
	s12 =	simm.s32 $0x80;
	s10 =	smax.u32 s1, $0x1  }
.LBB2_1:
0x13: {  	[tilespmem:s2], [sflag:$0x4] =	stream.linear.gather [hbm4b:s5+s2], $0x80, $0x38;
	[tilespmem:$0x6C80] =	vst v63  }
0x14: {  	_ =	swait.ge [sflag:s11], $0x80  }
0x15: {  	[sflag:s11] =	ssyncset.done $0x0  }
0x16: {  	[sflag:s11] =	ssyncadd.s32 $0xFFFFFF80  }
0x17: {  	v0 =	vld [tilespmem:$0x0]  }
0x18: {  	v2 =	vld [tilespmem:$0x10];
	_ =	sdelay $0x3  }
0x19: {  	[tilespmem:$0x80] =	vst v0  }
0x1a: {  	v1 =	vadd.s32 $0x186A0, v0;
	[tilespmem:$0x90] =	vst v2  }
0x1b: {  	[tilespmem:$0x100] =	vst v1;
	v1 =	vadd.s32 $0x30D40, v0  }
0x1c: {  	[tilespmem:$0x180] =	vst v1;
	v1 =	vadd.s32 $0x493E0, v0  }
0x1d: {  	[tilespmem:$0x200] =	vst v1;
	v1 =	vadd.s32 $0x61A80, v0  }
0x1e: {  	[tilespmem:$0x280] =	vst v1;
	v1 =	vadd.s32 $0x7A120, v0  }
0x1f: {  	[tilespmem:$0x300] =	vst v1;
	v1 =	vadd.s32 $0x927C0, v0  }
0x20: {  	v0 =	vadd.s32 $0xAAE60, v0;
	[tilespmem:$0x380] =	vst v1  }
0x21: {  	[tilespmem:$0x400] =	vst v0;
	v0 =	vadd.s32 $0x186A0, v2  }
0x22: {  	v1 =	vld [tilespmem:$0x20];
	[tilespmem:$0x110] =	vst v0;
	v0 =	vadd.s32 $0x30D40, v2  }
0x23: {  	[tilespmem:$0x190] =	vst v0;
	v0 =	vadd.s32 $0x493E0, v2  }
0x24: {  	[tilespmem:$0x210] =	vst v0;
	v0 =	vadd.s32 $0x61A80, v2  }
0x25: {  	[tilespmem:$0x290] =	vst v0;
	v0 =	vadd.s32 $0x7A120, v2  }
0x26: {  	[tilespmem:$0x310] =	vst v0  }
0x27: {  	v0 =	vadd.s32 $0x927C0, v2;
	[tilespmem:$0xA0] =	vst v1  }
0x28: {  	[tilespmem:$0x390] =	vst v0;
	v0 =	vadd.s32 $0xAAE60, v2  }
0x29: {  	v2 =	vld [tilespmem:$0x30];
	[tilespmem:$0x410] =	vst v0;
	v0 =	vadd.s32 $0x186A0, v1  }
0x2a: {  	[tilespmem:$0x120] =	vst v0;
	v0 =	vadd.s32 $0x30D40, v1  }
0x2b: {  	[tilespmem:$0x1A0] =	vst v0;
	v0 =	vadd.s32 $0x493E0, v1  }
0x2c: {  	[tilespmem:$0x220] =	vst v0;
	v0 =	vadd.s32 $0x61A80, v1  }
0x2d: {  	[tilespmem:$0x2A0] =	vst v0  }
0x2e: {  	v0 =	vadd.s32 $0x7A120, v1;
	[tilespmem:$0xB0] =	vst v2  }
0x2f: {  	[tilespmem:$0x320] =	vst v0;
	v0 =	vadd.s32 $0x927C0, v1  }
0x30: {  	[tilespmem:$0x3A0] =	vst v0;
	v0 =	vadd.s32 $0xAAE60, v1  }
0x31: {  	v1 =	vld [tilespmem:$0x40];
	[tilespmem:$0x420] =	vst v0;
	v0 =	vadd.s32 $0x186A0, v2  }
0x32: {  	[tilespmem:$0x130] =	vst v0;
	v0 =	vadd.s32 $0x30D40, v2  }
0x33: {  	[tilespmem:$0x1B0] =	vst v0;
	v0 =	vadd.s32 $0x493E0, v2  }
0x34: {  	[tilespmem:$0x230] =	vst v0;
	v0 =	vadd.s32 $0x61A80, v2  }
0x35: {  	[tilespmem:$0x2B0] =	vst v0  }
0x36: {  	v0 =	vadd.s32 $0x7A120, v2;
	[tilespmem:$0xC0] =	vst v1  }
0x37: {  	[tilespmem:$0x330] =	vst v0;
	v0 =	vadd.s32 $0x927C0, v2  }
0x38: {  	[tilespmem:$0x3B0] =	vst v0;
	v0 =	vadd.s32 $0xAAE60, v2  }
0x39: {  	v2 =	vld [tilespmem:$0x50];
	[tilespmem:$0x430] =	vst v0;
	v0 =	vadd.s32 $0x186A0, v1  }
0x3a: {  	[tilespmem:$0x140] =	vst v0;
	v0 =	vadd.s32 $0x30D40, v1  }
0x3b: {  	[tilespmem:$0x1C0] =	vst v0;
	v0 =	vadd.s32 $0x493E0, v1  }
0x3c: {  	[tilespmem:$0x240] =	vst v0;
	v0 =	vadd.s32 $0x61A80, v1  }
0x3d: {  	[tilespmem:$0x2C0] =	vst v0  }
0x3e: {  	v0 =	vadd.s32 $0x7A120, v1;
	[tilespmem:$0xD0] =	vst v2  }
0x3f: {  	[tilespmem:$0x340] =	vst v0;
	v0 =	vadd.s32 $0x927C0, v1  }
0x40: {  	[tilespmem:$0x3C0] =	vst v0;
	v0 =	vadd.s32 $0xAAE60, v1  }
0x41: {  	v1 =	vld [tilespmem:$0x60];
	[tilespmem:$0x440] =	vst v0;
	v0 =	vadd.s32 $0x186A0, v2  }
0x42: {  	[tilespmem:$0x150] =	vst v0;
	v0 =	vadd.s32 $0x30D40, v2  }
0x43: {  	[tilespmem:$0x1D0] =	vst v0;
	v0 =	vadd.s32 $0x493E0, v2  }
0x44: {  	[tilespmem:$0x250] =	vst v0;
	v0 =	vadd.s32 $0x61A80, v2  }
0x45: {  	[tilespmem:$0x2D0] =	vst v0  }
0x46: {  	v0 =	vadd.s32 $0x7A120, v2;
	[tilespmem:$0xE0] =	vst v1  }
0x47: {  	[tilespmem:$0x350] =	vst v0;
	v0 =	vadd.s32 $0x927C0, v2  }
0x48: {  	[tilespmem:$0x3D0] =	vst v0;
	v0 =	vadd.s32 $0xAAE60, v2  }
0x49: {  	v2 =	vld [tilespmem:$0x70];
	[tilespmem:$0x450] =	vst v0;
	v0 =	vadd.s32 $0x186A0, v1  }
0x4a: {  	[tilespmem:$0x160] =	vst v0;
	v0 =	vadd.s32 $0x30D40, v1  }
0x4b: {  	[tilespmem:$0x1E0] =	vst v0;
	v0 =	vadd.s32 $0x493E0, v1  }
0x4c: {  	[tilespmem:$0x260] =	vst v0;
	v0 =	vadd.s32 $0x61A80, v1  }
0x4d: {  	[tilespmem:$0x2E0] =	vst v0  }
0x4e: {  	v0 =	vadd.s32 $0x7A120, v1;
	[tilespmem:$0xF0] =	vst v2  }
0x4f: {  	[tilespmem:$0x360] =	vst v0;
	v0 =	vadd.s32 $0x927C0, v1  }
0x50: {  	[tilespmem:$0x3E0] =	vst v0;
	v0 =	vadd.s32 $0xAAE60, v1  }
0x51: {  	[tilespmem:$0x460] =	vst v0;
	v0 =	vadd.s32 $0x186A0, v2  }
0x52: {  	[tilespmem:$0x170] =	vst v0;
	v0 =	vadd.s32 $0x30D40, v2  }
0x53: {  	[tilespmem:$0x1F0] =	vst v0;
	v0 =	vadd.s32 $0x493E0, v2  }
0x54: {  	[tilespmem:$0x270] =	vst v0;
	v0 =	vadd.s32 $0x61A80, v2  }
0x55: {  	[tilespmem:$0x2F0] =	vst v0;
	v0 =	vadd.s32 $0x7A120, v2  }
0x56: {  	[tilespmem:$0x370] =	vst v0;
	v0 =	vadd.s32 $0x927C0, v2  }
0x57: {  	[tilespmem:$0x3F0] =	vst v0;
	v0 =	vadd.s32 $0xAAE60, v2  }
0x58: {  	[tilespmem:$0x470] =	vst v0  }
0x59: {  	[tilespmem:s13], [sflag:$0x1] =	stream.indirect.gather [hbm4b:s3+s12], $0x1, s12, s12, $0xb8;
	[tilespmem:$0x6C80] =	vst v63  }
0x5a: {  	_ = 	snop  }
0x5b: {  	[tilespmem:s14], [sflag:$0x2] =	stream.indirect.gather [hbm4b:s4+s12], $0x1, s12, s12, $0xb8;
	[tilespmem:$0x6C80] =	vst v63  }
0x5c: {  	s0 =	simm.s32 $0x500  }
0x5d: {  	[tilespmem:s0], [sflag:$0x1] =	stream.indirect.gather [hbm4b:s3+s12], $0x1, s15, s12, $0xb8;
	[tilespmem:$0x6C80] =	vst v63  }
0x5e: {  	s1 =	simm.s32 $0x900  }
0x5f: {  	[tilespmem:s1], [sflag:$0x2] =	stream.indirect.gather [hbm4b:s4+s12], $0x1, s15, s12, $0xb8;
	[tilespmem:$0x6C80] =	vst v63  }
0x60: {  	s17 =	simm.s32 $0x580  }
0x61: {  	[tilespmem:s17], [sflag:$0x1] =	stream.indirect.gather [hbm4b:s3+s12], $0x1, s18, s12, $0xb8;
	[tilespmem:$0x6C80] =	vst v63  }
0x62: {  	s19 =	simm.s32 $0x980  }
0x63: {  	[tilespmem:s19], [sflag:$0x2] =	stream.indirect.gather [hbm4b:s4+s12], $0x1, s18, s12, $0xb8;
	[tilespmem:$0x6C80] =	vst v63  }
0x64: {  	s25 =	simm.s32 $0x600  }
0x65: {  	[tilespmem:s25], [sflag:$0x1] =	stream.indirect.gather [hbm4b:s3+s12], $0x1, s21, s12, $0xb8;
	[tilespmem:$0x6C80] =	vst v63  }
0x66: {  	s26 =	simm.s32 $0xA00  }
0x67: {  	[tilespmem:s26], [sflag:$0x2] =	stream.indirect.gather [hbm4b:s4+s12], $0x1, s21, s12, $0xb8;
	[tilespmem:$0x6C80] =	vst v63  }
0x68: {  	s1 =	simm.s32 $0x680  }
0x69: {  	[tilespmem:s1], [sflag:$0x1] =	stream.indirect.gather [hbm4b:s3+s12], $0x1, s24, s12, $0xb8;
	[tilespmem:$0x6C80] =	vst v63  }
0x6a: {  	s17 =	simm.s32 $0xA80  }
0x6b: {  	[tilespmem:s17], [sflag:$0x2] =	stream.indirect.gather [hbm4b:s4+s12], $0x1, s24, s12, $0xb8;
	[tilespmem:$0x6C80] =	vst v63  }
0x6c: {  	s19 =	simm.s32 $0x700  }
0x6d: {  	[tilespmem:s19], [sflag:$0x1] =	stream.indirect.gather [hbm4b:s3+s12], $0x1, s28, s12, $0xb8;
	[tilespmem:$0x6C80] =	vst v63  }
0x6e: {  	s25 =	simm.s32 $0xB00  }
0x6f: {  	[tilespmem:s25], [sflag:$0x2] =	stream.indirect.gather [hbm4b:s4+s12], $0x1, s28, s12, $0xb8;
	[tilespmem:$0x6C80] =	vst v63  }
0x70: {  	s26 =	simm.s32 $0x780  }
0x71: {  	[tilespmem:s26], [sflag:$0x1] =	stream.indirect.gather [hbm4b:s3+s12], $0x1, s31, s12, $0xb8;
	[tilespmem:$0x6C80] =	vst v63  }
0x72: {  	s1 =	simm.s32 $0xB80  }
0x73: {  	[tilespmem:s1], [sflag:$0x2] =	stream.indirect.gather [hbm4b:s4+s12], $0x1, s31, s12, $0xb8;
	[tilespmem:$0x6C80] =	vst v63  }
0x74: {  	s17 =	simm.s32 $0x800  }
0x75: {  	[tilespmem:s17], [sflag:$0x1] =	stream.indirect.gather [hbm4b:s3+s12], $0x1, s16, s12, $0xb8;
	[tilespmem:$0x6C80] =	vst v63  }
0x76: {  	s19 =	simm.s32 $0xC00  }
0x77: {  	[tilespmem:s19], [sflag:$0x2] =	stream.indirect.gather [hbm4b:s4+s12], $0x1, s16, s12, $0xb8;
	[tilespmem:$0x6C80] =	vst v63  }
0x78: {  	_ =	swait.ge [sflag:s20], $0x80  }
0x79: {  	[sflag:s20] =	ssyncset.done $0x0  }
0x7a: {  	[sflag:s20] =	ssyncadd.s32 $0xFFFFFF80  }
0x7b: {  	_ =	swait.ge [sflag:s22], $0x80  }
0x7c: {  	[sflag:s22] =	ssyncset.done $0x0  }
0x7d: {  	[sflag:s22] =	ssyncadd.s32 $0xFFFFFF80  }
0x7e: {  	_ =	swait.ge [sflag:s20], $0x80  }
0x7f: {  	[sflag:s20] =	ssyncset.done $0x0  }
0x80: {  	[sflag:s20] =	ssyncadd.s32 $0xFFFFFF80  }
0x81: {  	_ =	swait.ge [sflag:s22], $0x80  }
0x82: {  	[sflag:s22] =	ssyncset.done $0x0  }
0x83: {  	[sflag:s22] =	ssyncadd.s32 $0xFFFFFF80  }
0x84: {  	_ =	swait.ge [sflag:s20], $0x80  }
0x85: {  	[sflag:s20] =	ssyncset.done $0x0  }
0x86: {  	[sflag:s20] =	ssyncadd.s32 $0xFFFFFF80  }
0x87: {  	_ =	swait.ge [sflag:s22], $0x80  }
0x88: {  	[sflag:s22] =	ssyncset.done $0x0  }
0x89: {  	[sflag:s22] =	ssyncadd.s32 $0xFFFFFF80  }
0x8a: {  	_ =	swait.ge [sflag:s20], $0x80  }
0x8b: {  	[sflag:s20] =	ssyncset.done $0x0  }
0x8c: {  	[sflag:s20] =	ssyncadd.s32 $0xFFFFFF80  }
0x8d: {  	_ =	swait.ge [sflag:s22], $0x80  }
0x8e: {  	[sflag:s22] =	ssyncset.done $0x0  }
0x8f: {  	[sflag:s22] =	ssyncadd.s32 $0xFFFFFF80  }
0x90: {  	_ =	swait.ge [sflag:s20], $0x80  }
0x91: {  	[sflag:s20] =	ssyncset.done $0x0  }
0x92: {  	[sflag:s20] =	ssyncadd.s32 $0xFFFFFF80  }
0x93: {  	_ =	swait.ge [sflag:s22], $0x80  }
0x94: {  	[sflag:s22] =	ssyncset.done $0x0  }
0x95: {  	[sflag:s22] =	ssyncadd.s32 $0xFFFFFF80  }
0x96: {  	_ =	swait.ge [sflag:s20], $0x80  }
0x97: {  	[sflag:s20] =	ssyncset.done $0x0  }
0x98: {  	[sflag:s20] =	ssyncadd.s32 $0xFFFFFF80  }
0x99: {  	_ =	swait.ge [sflag:s22], $0x80  }
0x9a: {  	[sflag:s22] =	ssyncset.done $0x0  }
0x9b: {  	[sflag:s22] =	ssyncadd.s32 $0xFFFFFF80  }
0x9c: {  	_ =	swait.ge [sflag:s20], $0x80  }
0x9d: {  	[sflag:s20] =	ssyncset.done $0x0  }
0x9e: {  	[sflag:s20] =	ssyncadd.s32 $0xFFFFFF80  }
0x9f: {  	_ =	swait.ge [sflag:s22], $0x80  }
0xa0: {  	[sflag:s22] =	ssyncset.done $0x0  }
0xa1: {  	[sflag:s22] =	ssyncadd.s32 $0xFFFFFF80  }
0xa2: {  	_ =	swait.ge [sflag:s20], $0x80  }
0xa3: {  	[sflag:s20] =	ssyncset.done $0x0  }
0xa4: {  	[sflag:s20] =	ssyncadd.s32 $0xFFFFFF80  }
0xa5: {  	_ =	swait.ge [sflag:s22], $0x80  }
0xa6: {  	s25 =	simm.s32 $0x0;
	[sflag:s22] =	ssyncset.done $0x0  }
0xa7: {  	s0 =	sand.u32 $0x3FFFFF80, s25;
	s1 =	sand.u32 $0x70, s2;
	[sflag:s22] =	ssyncadd.s32 $0xFFFFFF80  }
0xa8: {  	[hbm4b:s6+s2] =	stream.linear.scatter [tilespmem:s13], [sflag:$0x3], $0x400, $0x38;
	[tilespmem:$0x6C80] =	vst v63  }
0xa9: {  	s0 =	sor.u32 s1, s0  }
0xaa: {  	[hbm4b:s7+s2] =	stream.linear.scatter [tilespmem:s14], [sflag:$0x3], $0x400, $0x38;
	[tilespmem:$0x6C80] =	vst v63  }
0xab: {  	v0 =	vld [tilespmem:s0+$0x480];
	_ =	sdelay $0x1  }
0xac: {  	s26 =	simm.s32 $0x0  }
0xad: {  	s0 =	sand.u32 $0x3FFFFC00, s26  }
0xae: {  	s1 =	sor.u32 s1, s0  }
0xaf: {  	[tilespmem:s1+$0xC80] =	vst v0;
	v1 =	vadd.s32 $0x186A0, v0  }
0xb0: {  	v2 =	vadd.s32 $0x30D40, v0;
	[tilespmem:s1+$0xD00] =	vst v1  }
0xb1: {  	v3 =	vadd.s32 $0x7A120, v0;
	[tilespmem:s1+$0xD80] =	vst v2  }
0xb2: {  	v1 =	vadd.s32 $0x493E0, v0;
	[tilespmem:s1+$0xF00] =	vst v3  }
0xb3: {  	s25 =	simm.s32 $0x10;
	v2 =	vadd.s32 $0x61A80, v0;
	[tilespmem:s1+$0xE00] =	vst v1  }
0xb4: {  	s17 =	simm.s32 $0x2;
	s19 =	simm.s32 $0x10;
	s0 =	simm.s32 $0x1;
	[tilespmem:s1+$0xE80] =	vst v2;
	v1 =	vadd.s32 $0x927C0, v0;
	v0 =	vadd.s32 $0xAAE60, v0  }
.LBB2_2:
0xb5: {  	p0 =	sne.s32 s17, $0x3F;
	s26 =	sand.u32 $0x70, s19;
	s25 =	sand.u32 $0x3FFFFF80, s25;
	[tilespmem:s1+$0xF80] =	vst v1  }
0xb6: {  	s25 =	sor.u32 s26, s25;
	[tilespmem:s1+$0x1000] =	vst v0  }
0xb7: {  	v0 =	vld [tilespmem:s25+$0x480];
	_ =	sdelay $0x1  }
0xb8: {  	s1 =	sshll.u32 s0, $0x7;
	s0 =	smov.u32 s17  }
0xb9: {  	s1 =	sand.u32 $0x3FFFFC00, s1  }
0xba: {  	s1 =	sor.u32 s26, s1  }
0xbb: {  	[tilespmem:s1+$0xC80] =	vst v0;
	v1 =	vadd.s32 $0x186A0, v0;
	v2 =	vadd.s32 $0x30D40, v0;
	v3 =	vadd.s32 $0x493E0, v0  }
.Ltmp0:
0xbc: {  	v4 =	vadd.s32 $0x61A80, v0;
	v5 =	vadd.s32 $0x7A120, v0;
	[tilespmem:s1+$0xD00] =	vst v1;
	v1 =	vadd.s32 $0x927C0, v0;
	(pc) =	sbr.rel @p0 .LBB2_2-.Ltmp0, $4  }
0xbd: {  	v0 =	vadd.s32 $0xAAE60, v0;
	[tilespmem:s1+$0xD80] =	vst v2  }
0xbe: {  	[tilespmem:s1+$0xE00] =	vst v3  }
0xbf: {  	[tilespmem:s1+$0xE80] =	vst v4  }
0xc0: {  	s19 =	sadd.s32 $0x10, s19;
	s17 =	sadd.s32 $0x1, s17;
	s25 =	sshll.u32 s0, $0x4;
	[tilespmem:s1+$0xF00] =	vst v5  }
0xc1: {  	s17 =	sand.u32 $0x70, s19;
	s25 =	sand.u32 $0x3FFFFF80, s25;
	[tilespmem:s1+$0xF80] =	vst v1  }
0xc2: {  	[tilespmem:s1+$0x1000] =	vst v0;
	s19 =	sor.u32 s17, s25  }
0xc3: {  	v0 =	vld [tilespmem:s19+$0x480];
	_ =	sdelay $0x1  }
0xc4: {  	s0 =	sshll.u32 s0, $0x7  }
0xc5: {  	s0 =	sand.u32 $0x3FFFFC00, s0  }
0xc6: {  	s0 =	sor.u32 s17, s0  }
0xc7: {  	[tilespmem:s0+$0xC80] =	vst v0;
	v59 =	vadd.s32 $0x186A0, v0  }
0xc8: {  	v2 =	vadd.s32 $0x30D40, v0;
	[tilespmem:s0+$0xD00] =	vst v59  }
0xc9: {  	v60 =	vadd.s32 $0x493E0, v0;
	[tilespmem:s0+$0xD80] =	vst v2  }
0xca: {  	v61 =	vadd.s32 $0x61A80, v0;
	[tilespmem:s0+$0xE00] =	vst v60  }
0xcb: {  	v62 =	vadd.s32 $0x7A120, v0;
	[tilespmem:s0+$0xE80] =	vst v61  }
0xcc: {  	v63 =	vadd.s32 $0x927C0, v0;
	[tilespmem:s0+$0xF00] =	vst v62  }
0xcd: {  	s26 =	simm.s32 $0x2C80;
	v0 =	vadd.s32 $0xAAE60, v0;
	[tilespmem:s0+$0xF80] =	vst v63  }
0xce: {  	s1 =	simm.s32 $0xC80;
	s17 =	simm.s32 $0x4C80;
	[tilespmem:s0+$0x1000] =	vst v0;
	s0 =	simm.s32 $0x200  }
0xcf: {  	[tilespmem:s26], [sflag:$0x1] =	stream.indirect.gather [hbm4b:s3+s12], $0x1, s1, s12, $0xb8;
	[tilespmem:$0x6C80] =	vst v63  }
.LBB2_4:
0xd0: {  	[tilespmem:s17], [sflag:$0x2] =	stream.indirect.gather [hbm4b:s4+s12], $0x1, s1, s12, $0xb8;
	[tilespmem:$0x6C80] =	vst v63  }
0xd1: {  	s1 =	smov.u32 s0;
	p0 =	sne.s32 s0, $0x7E00  }
.Ltmp1:
0xd2: {  	s0 =	sadd.s32 $0x200, s0;
	(pc) =	sbr.rel @p0 .LBB2_4-.Ltmp1, $4  }
0xd3: {  	s17 =	sshra.s32 s1, $0x2  }
0xd4: {  	s19 =	sadd.s32 $0x2C80, s17;
	s1 =	sadd.s32 $0xC80, s17  }
0xd5: {  	[tilespmem:s19], [sflag:$0x1] =	stream.indirect.gather [hbm4b:s3+s12], $0x1, s1, s12, $0xb8;
	[tilespmem:$0x6C80] =	vst v63  }
0xd6: {  	s17 =	sadd.s32 $0x4C80, s17  }
0xd7: {  	[tilespmem:s17], [sflag:$0x2] =	stream.indirect.gather [hbm4b:s4+s12], $0x1, s1, s12, $0xb8;
	[tilespmem:$0x6C80] =	vst v63  }
0xd8: {  	_ =	swait.ge [sflag:s20], $0x2000  }
0xd9: {  	[sflag:s20] =	ssyncset.done $0x0  }
0xda: {  	[sflag:s20] =	ssyncadd.s32 $0xFFFFE000  }
0xdb: {  	_ =	swait.ge [sflag:s22], $0x2000  }
0xdc: {  	[sflag:s22] =	ssyncset.done $0x0  }
0xdd: {  	s0 =	simm.s32 $0x2C80;
	[sflag:s22] =	ssyncadd.s32 $0xFFFFE000  }
0xde: {  	[hbm4b:s8+s16] =	stream.strided.scatter [tilespmem:s0], [sflag:$0x3], $0x2000, s23, s16, $0x38;
	[tilespmem:$0x6C80] =	vst v63  }
0xdf: {  	s26 =	simm.s32 $0x4C80  }
0xe0: {  	[hbm4b:s9+s16] =	stream.strided.scatter [tilespmem:s26], [sflag:$0x3], $0x2000, s23, s16, $0x38;
	[tilespmem:$0x6C80] =	vst v63  }
0xe1: {  	_ =	swait.ge [sflag:s29], $0x400  }
0xe2: {  	[sflag:s29] =	ssyncset.done $0x0  }
0xe3: {  	[sflag:s29] =	ssyncadd.s32 $0xFFFFFC00  }
0xe4: {  	_ =	swait.ge [sflag:s29], $0x400  }
0xe5: {  	[sflag:s29] =	ssyncset.done $0x0  }
0xe6: {  	s30 =	sadd.s32 $0x1, s30;
	[sflag:s29] =	ssyncadd.s32 $0xFFFFFC00  }
0xe7: {  	p0 =	sne.s32 s30, s10;
	_ =	swait.ge [sflag:s29], $0x2000  }
.Ltmp2:
0xe8: {  	[sflag:s29] =	ssyncset.done $0x0;
	(pc) =	sbr.rel @p0 .LBB2_1-.Ltmp2, $4  }
0xe9: {  	[sflag:s29] =	ssyncadd.s32 $0xFFFFE000  }
0xea: {  	_ =	swait.ge [sflag:s29], $0x2000  }
0xeb: {  	[sflag:s29] =	ssyncset.done $0x0  }
0xec: {  	[sflag:s29] =	ssyncadd.s32 $0xFFFFE000  }
0xed: {  	_ =	sfence.sel $0x180000  }
0xee: {  	[bflag:$0x0] =	sbarrier.arrive $0xFFFF  }
0xef: {  	_ =	strace $0x90000047  }
0xf0: {  	s0 =	stileid.u32;
	[bflag:$0x2] =	sbarrier.arrive $0xFFFF  }
0xf1: {  	p0 =	sne.s32 s0, $0x0;
	s0 =	rddreg [dreg:$0x6]  }
0xf2: {  	s0 =	sadd.s32 @!p0 $0x100000, s0  }
0xf3: {  	[sflag:s0] =	ssyncadd.tile.s32 @!p0 $0x1;
	_ =	shalt  }
.Lfunc_end2:
_tile_overlayer_lowered:
.L_overlay_start_2:
0xf4: {  	(tag) =	ssettag $0x2  }
0xf5: {  	s0 =	rddreg [dreg:$0x0];
	s2 =	stileid.u32  }
0xf6: {  	s1 =	rddreg [dreg:$0x1];
	p0 =	sne.s32 s2, $0x0  }
0xf7: {  	s3 =	rddreg [dreg:$0x2];
	[bflag:$0x3] =	sbarrier.arrive $0xFFFF;
	s2 =	simm.s32 @!p0 $0x1C04  }
0xf8: {  	[timem:s3], [sflag:s2] =	dma.local @!p0 [hbm:s0], s1  }
0xf9: {  	s0 =	simm.s32 @!p0 $0x4  }
0xfa: {  	_ =	swait.ge @!p0 [sflag:s0], s1  }
0xfb: {  	s1 =	ssub.s32 @!p0 $0x0, s1;
	[sflag:s0] =	ssyncset.done @!p0 $0x0  }
0xfc: {  	[sflag:s0] =	ssyncadd.s32 @!p0 s1  }
0xfd: {  	[bflag:$0x3] =	sbarrier.arrive $0xFFFF  }
0xfe: {  	_ =	shalt  }

</sc_bundles>
